<compile_context>
chip_gen: v7x
topology: tpu7x:2x2x1
jax: 0.10.2.dev20260603
libtpu: 0.0.44.dev20260713+nightly
codegen_flags: <defaults>
</compile_context>

<pallas_src>
import functools

import jax
import jax.numpy as jnp
from jax import lax
from jax.experimental import pallas as pl
from jax.experimental.pallas import tpu as pltpu
from jax.experimental.pallas import tpu_sc as plsc

_B = 16384
_D = 16
_V = 1000000
_NC = 2
_NS = 16
_NW = _NC * _NS
_BPW = _B // _NW
_K = 16
_L = 16

_mesh = plsc.VectorSubcoreMesh(core_axis_name="c", subcore_axis_name="s")


@functools.partial(
    pl.kernel,
    mesh=_mesh,
    out_type=jax.ShapeDtypeStruct((_D, _B), jnp.float32),
    compiler_params=pltpu.CompilerParams(needs_layout_passes=False),
    scratch_types=[
        pltpu.VMEM((_BPW,), jnp.int32),
        pltpu.VMEM((_K, _D, 128), jnp.float32),
        pltpu.VMEM((_D, _BPW), jnp.float32),
    ]
    + [pltpu.SemaphoreType.DMA] * _K,
)
def _embed_sc(idx_hbm, tableT_hbm, outT_hbm, idx_v, tiles_v, cols_v, *sems):
    wid = lax.axis_index("s") * _NC + lax.axis_index("c")
    base = wid * _BPW
    pltpu.sync_copy(idx_hbm.at[pl.ds(base, _BPW)], idx_v)

    rows16 = lax.iota(jnp.int32, _L)
    n_grp = _BPW // _K

    def fire(r, i):
        c = pl.multiple_of((i >> 7) * 128, 128)
        pltpu.make_async_copy(
            tableT_hbm.at[:, pl.ds(c, 128)], tiles_v.at[r], sems[r]
        ).start()

    def drain(r):
        pltpu.make_async_copy(
            tableT_hbm.at[:, pl.ds(0, 128)], tiles_v.at[r], sems[r]
        ).wait()

    chunk0 = idx_v[pl.ds(0, _K)]
    for r in range(_K):
        fire(r, chunk0[r])

    def body(g, carry):
        chunk = idx_v[pl.ds(g * _K, _K)]
        g_next = jnp.minimum(g + 1, n_grp - 1)
        chunk_next = idx_v[pl.ds(g_next * _K, _K)]
        for r in range(_K):
            drain(r)
            lane = chunk[r] & 127
            col = plsc.load_gather(
                tiles_v.at[r], [rows16, jnp.full((_L,), lane, jnp.int32)]
            )
            plsc.store_scatter(
                cols_v, [rows16, jnp.full((_L,), g * _K + r, jnp.int32)], col
            )

            @pl.when(g < n_grp - 1)
            def _():
                fire(r, chunk_next[r])

        return carry

    lax.fori_loop(0, n_grp, body, 0)
    pltpu.sync_copy(cols_v, outT_hbm.at[:, pl.ds(base, _BPW)])


def kernel(op, table):
    outT = _embed_sc(op.astype(jnp.int32), table.T)
    return outT.T

# --- scband reference (transcript-rebuilt; emitter-appended) ---
"""Pipeline reference for scband-op-embedding-4252017623276 (READ-ONLY COPY).

The authoritative reference and input builder live on the scoring server;
editing this copy changes nothing except your own understanding.
"""

import jax, jax.numpy as jnp
import numpy as np

NUM_OPS = 1000000
EMBED_D = 16
N = 16384


def setup_inputs(seed: int = 0) -> dict:
    key = jax.random.key(seed)
    k_idx, k_tab = jax.random.split(key)
    # 'op' node feature: integer op-code ids for each node in node_sets['op']
    op = jax.random.randint(k_idx, (N,), 0, NUM_OPS, dtype=jnp.int32)
    # Embedding table (learned parameter of tf.keras.layers.Embedding)
    table = jax.random.normal(k_tab, (NUM_OPS, EMBED_D), dtype=jnp.float32) * 0.05
    return {"op": op, "table": table}


def reference(op, table):
    # Faithful translation of _OpEmbedding.call: the module embeds
    # graph.node_sets['op']['op'] (cast to int32) via the Embedding layer
    # and writes the result as feature 'op_e'. The GraphTensor plumbing is
    # pure feature-dict bookkeeping; the tensor computation is the lookup.
    idx = op.astype(jnp.int32)
    op_e = jnp.take(table, idx, axis=0)
    return op_e

if __name__ == "__main__":
    import jax
    _d = setup_inputs()
    print(jax.jit(kernel)(*tuple(_d.values())))

</pallas_src>

<mosaic_0001>
#map = affine_map<(d0, d1) -> (0)>
#map1 = affine_map<(d0, d1) -> (0, 0)>
module attributes {stable_mosaic.version = 14 : i64} {
  func.func @_embed_sc(%arg0: i32, %arg1: i32, %arg2: memref<16384xi32, #tpu.memory_space<hbm>>, %arg3: memref<16x1000000xf32, #tpu.memory_space<hbm>>, %arg4: memref<16x16384xf32, #tpu.memory_space<hbm>>, %arg5: memref<512xi32, #tpu.memory_space<vmem>>, %arg6: memref<16x16x128xf32, #tpu.memory_space<vmem>>, %arg7: memref<16x512xf32, #tpu.memory_space<vmem>>, %arg8: memref<!tpu.dma_semaphore, #tpu.memory_space<semaphore_mem>>, %arg9: memref<!tpu.dma_semaphore, #tpu.memory_space<semaphore_mem>>, %arg10: memref<!tpu.dma_semaphore, #tpu.memory_space<semaphore_mem>>, %arg11: memref<!tpu.dma_semaphore, #tpu.memory_space<semaphore_mem>>, %arg12: memref<!tpu.dma_semaphore, #tpu.memory_space<semaphore_mem>>, %arg13: memref<!tpu.dma_semaphore, #tpu.memory_space<semaphore_mem>>, %arg14: memref<!tpu.dma_semaphore, #tpu.memory_space<semaphore_mem>>, %arg15: memref<!tpu.dma_semaphore, #tpu.memory_space<semaphore_mem>>, %arg16: memref<!tpu.dma_semaphore, #tpu.memory_space<semaphore_mem>>, %arg17: memref<!tpu.dma_semaphore, #tpu.memory_space<semaphore_mem>>, %arg18: memref<!tpu.dma_semaphore, #tpu.memory_space<semaphore_mem>>, %arg19: memref<!tpu.dma_semaphore, #tpu.memory_space<semaphore_mem>>, %arg20: memref<!tpu.dma_semaphore, #tpu.memory_space<semaphore_mem>>, %arg21: memref<!tpu.dma_semaphore, #tpu.memory_space<semaphore_mem>>, %arg22: memref<!tpu.dma_semaphore, #tpu.memory_space<semaphore_mem>>, %arg23: memref<!tpu.dma_semaphore, #tpu.memory_space<semaphore_mem>>) attributes {dimension_semantics = [#tpu.dimension_semantics<core_parallel>, #tpu.dimension_semantics<subcore_parallel>], iteration_bounds = array<i64: 2, 16>, scalar_prefetch = 0 : i64, scratch_operands = 19 : i64, tpu.core_type = #tpu.core_type<sc_vector_subcore>, window_params = [{transform_indices = #map}, {transform_indices = #map1}, {transform_indices = #map1}]} {
    %mul3A = arith.constant 2 : i32
    %mul3A_0 = arith.muli %arg1, %mul3A : i32
    %add3A = arith.addi %mul3A_0, %arg0 : i32
    %mul3A_1 = arith.constant 512 : i32
    %mul3A_2 = arith.muli %add3A, %mul3A_1 : i32
    "tpu.region"() ({
      %run_scoped3A = tpu.sem_alloc : memref<!tpu.dma_semaphore, #tpu.memory_space<semaphore_mem>>
      %dma_start3A_324 = tpu.memref_slice %arg2[%mul3A_2] : memref<16384xi32, #tpu.memory_space<hbm>> -> memref<512xi32, #tpu.memory_space<hbm>>
      %dma_start3A_325 = tpu.memref_slice %arg2[%mul3A_2] : memref<16384xi32, #tpu.memory_space<hbm>> -> memref<512xi32, #tpu.memory_space<hbm>>
      tpu.enqueue_dma source(%dma_start3A_325 : memref<512xi32, #tpu.memory_space<hbm>>) target(%arg5 : memref<512xi32, #tpu.memory_space<vmem>>) target_semaphore(%run_scoped3A : memref<!tpu.dma_semaphore, #tpu.memory_space<semaphore_mem>>)
      %dma_wait3A = tpu.memref_slice %arg2[%mul3A_2] : memref<16384xi32, #tpu.memory_space<hbm>> -> memref<512xi32, #tpu.memory_space<hbm>>
      %dma_wait3A_326 = tpu.memref_slice %arg2[%mul3A_2] : memref<16384xi32, #tpu.memory_space<hbm>> -> memref<512xi32, #tpu.memory_space<hbm>>
      tpu.wait_dma2 semaphore(%run_scoped3A : memref<!tpu.dma_semaphore, #tpu.memory_space<semaphore_mem>>) src(%dma_wait3A_326 : memref<512xi32, #tpu.memory_space<hbm>>) dst(%arg5 : memref<512xi32, #tpu.memory_space<vmem>>)
      tpu.yield
    }) : () -> ()
    %iota3A = tpu.iota {dimensions = array<i32: 0>} : vector<16xi32>
    %get3A = arith.constant 0 : index
    %get3A_3 = tpu.vector_load %arg5[%get3A] {strides = array<i32>} : memref<512xi32, #tpu.memory_space<vmem>>, vector<16xi32>,
    %slice3A = vector.extract_strided_slice %get3A_3 {offsets = [0], sizes = [1], strides = [1]} : vector<16xi32> to vector<1xi32>
    %squeeze3A = vector.extract %slice3A[0] : i32 from vector<1xi32>
    %shift_right_arithmetic3A = arith.constant 7 : i32
    %shift_right_arithmetic3A_4 = arith.shrsi %squeeze3A, %shift_right_arithmetic3A : i32
    %mul3A_5 = arith.constant 128 : i32
    %mul3A_6 = arith.muli %shift_right_arithmetic3A_4, %mul3A_5 : i32
    %multiple_of3A = tpu.assume_multiple %mul3A_6, 128 : i32
    %dma_start3A = arith.constant 0 : i32
    %dma_start3A_7 = arith.constant 0 : i32
    %dma_start3A_8 = arith.constant 0 : i32
    %dma_start3A_9 = tpu.memref_slice %arg6[%dma_start3A, %dma_start3A_7, %dma_start3A_8] : memref<16x16x128xf32, #tpu.memory_space<vmem>> -> memref<1x16x128xf32, #tpu.memory_space<vmem>>
    %dma_start3A_10 = tpu.memref_squeeze %dma_start3A_9 : memref<1x16x128xf32, #tpu.memory_space<vmem>> -> memref<16x128xf32, #tpu.memory_space<vmem>>
    %dma_start3A_11 = arith.constant 0 : i32
    %dma_start3A_12 = tpu.memref_slice %arg3[%dma_start3A_11, %multiple_of3A] : memref<16x1000000xf32, #tpu.memory_space<hbm>> -> memref<16x128xf32, #tpu.memory_space<hbm>>
    %dma_start3A_13 = arith.constant 0 : i32
    %dma_start3A_14 = arith.constant 0 : i32
    %dma_start3A_15 = tpu.memref_slice %arg6[%dma_start3A, %dma_start3A_13, %dma_start3A_14] : memref<16x16x128xf32, #tpu.memory_space<vmem>> -> memref<1x16x128xf32, #tpu.memory_space<vmem>>
    %dma_start3A_16 = tpu.memref_squeeze %dma_start3A_15 : memref<1x16x128xf32, #tpu.memory_space<vmem>> -> memref<16x128xf32, #tpu.memory_space<vmem>>
    %dma_start3A_17 = arith.constant 0 : i32
    %dma_start3A_18 = tpu.memref_slice %arg3[%dma_start3A_17, %multiple_of3A] : memref<16x1000000xf32, #tpu.memory_space<hbm>> -> memref<16x128xf32, #tpu.memory_space<hbm>>
    tpu.enqueue_dma source(%dma_start3A_18 : memref<16x128xf32, #tpu.memory_space<hbm>>) target(%dma_start3A_16 : memref<16x128xf32, #tpu.memory_space<vmem>>) target_semaphore(%arg8 : memref<!tpu.dma_semaphore, #tpu.memory_space<semaphore_mem>>)
    %slice3A_19 = vector.extract_strided_slice %get3A_3 {offsets = [1], sizes = [1], strides = [1]} : vector<16xi32> to vector<1xi32>
    %squeeze3A_20 = vector.extract %slice3A_19[0] : i32 from vector<1xi32>
    %shift_right_arithmetic3A_21 = arith.constant 7 : i32
    %shift_right_arithmetic3A_22 = arith.shrsi %squeeze3A_20, %shift_right_arithmetic3A_21 : i32
    %mul3A_23 = arith.constant 128 : i32
    %mul3A_24 = arith.muli %shift_right_arithmetic3A_22, %mul3A_23 : i32
    %multiple_of3A_25 = tpu.assume_multiple %mul3A_24, 128 : i32
    %dma_start3A_26 = arith.constant 1 : i32
    %dma_start3A_27 = arith.constant 0 : i32
    %dma_start3A_28 = arith.constant 0 : i32
    %dma_start3A_29 = tpu.memref_slice %arg6[%dma_start3A_26, %dma_start3A_27, %dma_start3A_28] : memref<16x16x128xf32, #tpu.memory_space<vmem>> -> memref<1x16x128xf32, #tpu.memory_space<vmem>>
    %dma_start3A_30 = tpu.memref_squeeze %dma_start3A_29 : memref<1x16x128xf32, #tpu.memory_space<vmem>> -> memref<16x128xf32, #tpu.memory_space<vmem>>
    %dma_start3A_31 = arith.constant 0 : i32
    %dma_start3A_32 = tpu.memref_slice %arg3[%dma_start3A_31, %multiple_of3A_25] : memref<16x1000000xf32, #tpu.memory_space<hbm>> -> memref<16x128xf32, #tpu.memory_space<hbm>>
    %dma_start3A_33 = arith.constant 0 : i32
    %dma_start3A_34 = arith.constant 0 : i32
    %dma_start3A_35 = tpu.memref_slice %arg6[%dma_start3A_26, %dma_start3A_33, %dma_start3A_34] : memref<16x16x128xf32, #tpu.memory_space<vmem>> -> memref<1x16x128xf32, #tpu.memory_space<vmem>>
    %dma_start3A_36 = tpu.memref_squeeze %dma_start3A_35 : memref<1x16x128xf32, #tpu.memory_space<vmem>> -> memref<16x128xf32, #tpu.memory_space<vmem>>
    %dma_start3A_37 = arith.constant 0 : i32
    %dma_start3A_38 = tpu.memref_slice %arg3[%dma_start3A_37, %multiple_of3A_25] : memref<16x1000000xf32, #tpu.memory_space<hbm>> -> memref<16x128xf32, #tpu.memory_space<hbm>>
    tpu.enqueue_dma source(%dma_start3A_38 : memref<16x128xf32, #tpu.memory_space<hbm>>) target(%dma_start3A_36 : memref<16x128xf32, #tpu.memory_space<vmem>>) target_semaphore(%arg9 : memref<!tpu.dma_semaphore, #tpu.memory_space<semaphore_mem>>)
    %slice3A_39 = vector.extract_strided_slice %get3A_3 {offsets = [2], sizes = [1], strides = [1]} : vector<16xi32> to vector<1xi32>
    %squeeze3A_40 = vector.extract %slice3A_39[0] : i32 from vector<1xi32>
    %shift_right_arithmetic3A_41 = arith.constant 7 : i32
    %shift_right_arithmetic3A_42 = arith.shrsi %squeeze3A_40, %shift_right_arithmetic3A_41 : i32
    %mul3A_43 = arith.constant 128 : i32
    %mul3A_44 = arith.muli %shift_right_arithmetic3A_42, %mul3A_43 : i32
    %multiple_of3A_45 = tpu.assume_multiple %mul3A_44, 128 : i32
    %dma_start3A_46 = arith.constant 2 : i32
    %dma_start3A_47 = arith.constant 0 : i32
    %dma_start3A_48 = arith.constant 0 : i32
    %dma_start3A_49 = tpu.memref_slice %arg6[%dma_start3A_46, %dma_start3A_47, %dma_start3A_48] : memref<16x16x128xf32, #tpu.memory_space<vmem>> -> memref<1x16x128xf32, #tpu.memory_space<vmem>>
    %dma_start3A_50 = tpu.memref_squeeze %dma_start3A_49 : memref<1x16x128xf32, #tpu.memory_space<vmem>> -> memref<16x128xf32, #tpu.memory_space<vmem>>
    %dma_start3A_51 = arith.constant 0 : i32
    %dma_start3A_52 = tpu.memref_slice %arg3[%dma_start3A_51, %multiple_of3A_45] : memref<16x1000000xf32, #tpu.memory_space<hbm>> -> memref<16x128xf32, #tpu.memory_space<hbm>>
    %dma_start3A_53 = arith.constant 0 : i32
    %dma_start3A_54 = arith.constant 0 : i32
    %dma_start3A_55 = tpu.memref_slice %arg6[%dma_start3A_46, %dma_start3A_53, %dma_start3A_54] : memref<16x16x128xf32, #tpu.memory_space<vmem>> -> memref<1x16x128xf32, #tpu.memory_space<vmem>>
    %dma_start3A_56 = tpu.memref_squeeze %dma_start3A_55 : memref<1x16x128xf32, #tpu.memory_space<vmem>> -> memref<16x128xf32, #tpu.memory_space<vmem>>
    %dma_start3A_57 = arith.constant 0 : i32
    %dma_start3A_58 = tpu.memref_slice %arg3[%dma_start3A_57, %multiple_of3A_45] : memref<16x1000000xf32, #tpu.memory_space<hbm>> -> memref<16x128xf32, #tpu.memory_space<hbm>>
    tpu.enqueue_dma source(%dma_start3A_58 : memref<16x128xf32, #tpu.memory_space<hbm>>) target(%dma_start3A_56 : memref<16x128xf32, #tpu.memory_space<vmem>>) target_semaphore(%arg10 : memref<!tpu.dma_semaphore, #tpu.memory_space<semaphore_mem>>)
    %slice3A_59 = vector.extract_strided_slice %get3A_3 {offsets = [3], sizes = [1], strides = [1]} : vector<16xi32> to vector<1xi32>
    %squeeze3A_60 = vector.extract %slice3A_59[0] : i32 from vector<1xi32>
    %shift_right_arithmetic3A_61 = arith.constant 7 : i32
    %shift_right_arithmetic3A_62 = arith.shrsi %squeeze3A_60, %shift_right_arithmetic3A_61 : i32
    %mul3A_63 = arith.constant 128 : i32
    %mul3A_64 = arith.muli %shift_right_arithmetic3A_62, %mul3A_63 : i32
    %multiple_of3A_65 = tpu.assume_multiple %mul3A_64, 128 : i32
    %dma_start3A_66 = arith.constant 3 : i32
    %dma_start3A_67 = arith.constant 0 : i32
    %dma_start3A_68 = arith.constant 0 : i32
    %dma_start3A_69 = tpu.memref_slice %arg6[%dma_start3A_66, %dma_start3A_67, %dma_start3A_68] : memref<16x16x128xf32, #tpu.memory_space<vmem>> -> memref<1x16x128xf32, #tpu.memory_space<vmem>>
    %dma_start3A_70 = tpu.memref_squeeze %dma_start3A_69 : memref<1x16x128xf32, #tpu.memory_space<vmem>> -> memref<16x128xf32, #tpu.memory_space<vmem>>
    %dma_start3A_71 = arith.constant 0 : i32
    %dma_start3A_72 = tpu.memref_slice %arg3[%dma_start3A_71, %multiple_of3A_65] : memref<16x1000000xf32, #tpu.memory_space<hbm>> -> memref<16x128xf32, #tpu.memory_space<hbm>>
    %dma_start3A_73 = arith.constant 0 : i32
    %dma_start3A_74 = arith.constant 0 : i32
    %dma_start3A_75 = tpu.memref_slice %arg6[%dma_start3A_66, %dma_start3A_73, %dma_start3A_74] : memref<16x16x128xf32, #tpu.memory_space<vmem>> -> memref<1x16x128xf32, #tpu.memory_space<vmem>>
    %dma_start3A_76 = tpu.memref_squeeze %dma_start3A_75 : memref<1x16x128xf32, #tpu.memory_space<vmem>> -> memref<16x128xf32, #tpu.memory_space<vmem>>
    %dma_start3A_77 = arith.constant 0 : i32
    %dma_start3A_78 = tpu.memref_slice %arg3[%dma_start3A_77, %multiple_of3A_65] : memref<16x1000000xf32, #tpu.memory_space<hbm>> -> memref<16x128xf32, #tpu.memory_space<hbm>>
    tpu.enqueue_dma source(%dma_start3A_78 : memref<16x128xf32, #tpu.memory_space<hbm>>) target(%dma_start3A_76 : memref<16x128xf32, #tpu.memory_space<vmem>>) target_semaphore(%arg11 : memref<!tpu.dma_semaphore, #tpu.memory_space<semaphore_mem>>)
    %slice3A_79 = vector.extract_strided_slice %get3A_3 {offsets = [4], sizes = [1], strides = [1]} : vector<16xi32> to vector<1xi32>
    %squeeze3A_80 = vector.extract %slice3A_79[0] : i32 from vector<1xi32>
    %shift_right_arithmetic3A_81 = arith.constant 7 : i32
    %shift_right_arithmetic3A_82 = arith.shrsi %squeeze3A_80, %shift_right_arithmetic3A_81 : i32
    %mul3A_83 = arith.constant 128 : i32
    %mul3A_84 = arith.muli %shift_right_arithmetic3A_82, %mul3A_83 : i32
    %multiple_of3A_85 = tpu.assume_multiple %mul3A_84, 128 : i32
    %dma_start3A_86 = arith.constant 4 : i32
    %dma_start3A_87 = arith.constant 0 : i32
    %dma_start3A_88 = arith.constant 0 : i32
    %dma_start3A_89 = tpu.memref_slice %arg6[%dma_start3A_86, %dma_start3A_87, %dma_start3A_88] : memref<16x16x128xf32, #tpu.memory_space<vmem>> -> memref<1x16x128xf32, #tpu.memory_space<vmem>>
    %dma_start3A_90 = tpu.memref_squeeze %dma_start3A_89 : memref<1x16x128xf32, #tpu.memory_space<vmem>> -> memref<16x128xf32, #tpu.memory_space<vmem>>
    %dma_start3A_91 = arith.constant 0 : i32
    %dma_start3A_92 = tpu.memref_slice %arg3[%dma_start3A_91, %multiple_of3A_85] : memref<16x1000000xf32, #tpu.memory_space<hbm>> -> memref<16x128xf32, #tpu.memory_space<hbm>>
    %dma_start3A_93 = arith.constant 0 : i32
    %dma_start3A_94 = arith.constant 0 : i32
    %dma_start3A_95 = tpu.memref_slice %arg6[%dma_start3A_86, %dma_start3A_93, %dma_start3A_94] : memref<16x16x128xf32, #tpu.memory_space<vmem>> -> memref<1x16x128xf32, #tpu.memory_space<vmem>>
    %dma_start3A_96 = tpu.memref_squeeze %dma_start3A_95 : memref<1x16x128xf32, #tpu.memory_space<vmem>> -> memref<16x128xf32, #tpu.memory_space<vmem>>
    %dma_start3A_97 = arith.constant 0 : i32
    %dma_start3A_98 = tpu.memref_slice %arg3[%dma_start3A_97, %multiple_of3A_85] : memref<16x1000000xf32, #tpu.memory_space<hbm>> -> memref<16x128xf32, #tpu.memory_space<hbm>>
    tpu.enqueue_dma source(%dma_start3A_98 : memref<16x128xf32, #tpu.memory_space<hbm>>) target(%dma_start3A_96 : memref<16x128xf32, #tpu.memory_space<vmem>>) target_semaphore(%arg12 : memref<!tpu.dma_semaphore, #tpu.memory_space<semaphore_mem>>)
    %slice3A_99 = vector.extract_strided_slice %get3A_3 {offsets = [5], sizes = [1], strides = [1]} : vector<16xi32> to vector<1xi32>
    %squeeze3A_100 = vector.extract %slice3A_99[0] : i32 from vector<1xi32>
    %shift_right_arithmetic3A_101 = arith.constant 7 : i32
    %shift_right_arithmetic3A_102 = arith.shrsi %squeeze3A_100, %shift_right_arithmetic3A_101 : i32
    %mul3A_103 = arith.constant 128 : i32
    %mul3A_104 = arith.muli %shift_right_arithmetic3A_102, %mul3A_103 : i32
    %multiple_of3A_105 = tpu.assume_multiple %mul3A_104, 128 : i32
    %dma_start3A_106 = arith.constant 5 : i32
    %dma_start3A_107 = arith.constant 0 : i32
    %dma_start3A_108 = arith.constant 0 : i32
    %dma_start3A_109 = tpu.memref_slice %arg6[%dma_start3A_106, %dma_start3A_107, %dma_start3A_108] : memref<16x16x128xf32, #tpu.memory_space<vmem>> -> memref<1x16x128xf32, #tpu.memory_space<vmem>>
    %dma_start3A_110 = tpu.memref_squeeze %dma_start3A_109 : memref<1x16x128xf32, #tpu.memory_space<vmem>> -> memref<16x128xf32, #tpu.memory_space<vmem>>
    %dma_start3A_111 = arith.constant 0 : i32
    %dma_start3A_112 = tpu.memref_slice %arg3[%dma_start3A_111, %multiple_of3A_105] : memref<16x1000000xf32, #tpu.memory_space<hbm>> -> memref<16x128xf32, #tpu.memory_space<hbm>>
    %dma_start3A_113 = arith.constant 0 : i32
    %dma_start3A_114 = arith.constant 0 : i32
    %dma_start3A_115 = tpu.memref_slice %arg6[%dma_start3A_106, %dma_start3A_113, %dma_start3A_114] : memref<16x16x128xf32, #tpu.memory_space<vmem>> -> memref<1x16x128xf32, #tpu.memory_space<vmem>>
    %dma_start3A_116 = tpu.memref_squeeze %dma_start3A_115 : memref<1x16x128xf32, #tpu.memory_space<vmem>> -> memref<16x128xf32, #tpu.memory_space<vmem>>
    %dma_start3A_117 = arith.constant 0 : i32
    %dma_start3A_118 = tpu.memref_slice %arg3[%dma_start3A_117, %multiple_of3A_105] : memref<16x1000000xf32, #tpu.memory_space<hbm>> -> memref<16x128xf32, #tpu.memory_space<hbm>>
    tpu.enqueue_dma source(%dma_start3A_118 : memref<16x128xf32, #tpu.memory_space<hbm>>) target(%dma_start3A_116 : memref<16x128xf32, #tpu.memory_space<vmem>>) target_semaphore(%arg13 : memref<!tpu.dma_semaphore, #tpu.memory_space<semaphore_mem>>)
    %slice3A_119 = vector.extract_strided_slice %get3A_3 {offsets = [6], sizes = [1], strides = [1]} : vector<16xi32> to vector<1xi32>
    %squeeze3A_120 = vector.extract %slice3A_119[0] : i32 from vector<1xi32>
    %shift_right_arithmetic3A_121 = arith.constant 7 : i32
    %shift_right_arithmetic3A_122 = arith.shrsi %squeeze3A_120, %shift_right_arithmetic3A_121 : i32
    %mul3A_123 = arith.constant 128 : i32
    %mul3A_124 = arith.muli %shift_right_arithmetic3A_122, %mul3A_123 : i32
    %multiple_of3A_125 = tpu.assume_multiple %mul3A_124, 128 : i32
    %dma_start3A_126 = arith.constant 6 : i32
    %dma_start3A_127 = arith.constant 0 : i32
    %dma_start3A_128 = arith.constant 0 : i32
    %dma_start3A_129 = tpu.memref_slice %arg6[%dma_start3A_126, %dma_start3A_127, %dma_start3A_128] : memref<16x16x128xf32, #tpu.memory_space<vmem>> -> memref<1x16x128xf32, #tpu.memory_space<vmem>>
    %dma_start3A_130 = tpu.memref_squeeze %dma_start3A_129 : memref<1x16x128xf32, #tpu.memory_space<vmem>> -> memref<16x128xf32, #tpu.memory_space<vmem>>
    %dma_start3A_131 = arith.constant 0 : i32
    %dma_start3A_132 = tpu.memref_slice %arg3[%dma_start3A_131, %multiple_of3A_125] : memref<16x1000000xf32, #tpu.memory_space<hbm>> -> memref<16x128xf32, #tpu.memory_space<hbm>>
    %dma_start3A_133 = arith.constant 0 : i32
    %dma_start3A_134 = arith.constant 0 : i32
    %dma_start3A_135 = tpu.memref_slice %arg6[%dma_start3A_126, %dma_start3A_133, %dma_start3A_134] : memref<16x16x128xf32, #tpu.memory_space<vmem>> -> memref<1x16x128xf32, #tpu.memory_space<vmem>>
    %dma_start3A_136 = tpu.memref_squeeze %dma_start3A_135 : memref<1x16x128xf32, #tpu.memory_space<vmem>> -> memref<16x128xf32, #tpu.memory_space<vmem>>
    %dma_start3A_137 = arith.constant 0 : i32
    %dma_start3A_138 = tpu.memref_slice %arg3[%dma_start3A_137, %multiple_of3A_125] : memref<16x1000000xf32, #tpu.memory_space<hbm>> -> memref<16x128xf32, #tpu.memory_space<hbm>>
    tpu.enqueue_dma source(%dma_start3A_138 : memref<16x128xf32, #tpu.memory_space<hbm>>) target(%dma_start3A_136 : memref<16x128xf32, #tpu.memory_space<vmem>>) target_semaphore(%arg14 : memref<!tpu.dma_semaphore, #tpu.memory_space<semaphore_mem>>)
    %slice3A_139 = vector.extract_strided_slice %get3A_3 {offsets = [7], sizes = [1], strides = [1]} : vector<16xi32> to vector<1xi32>
    %squeeze3A_140 = vector.extract %slice3A_139[0] : i32 from vector<1xi32>
    %shift_right_arithmetic3A_141 = arith.constant 7 : i32
    %shift_right_arithmetic3A_142 = arith.shrsi %squeeze3A_140, %shift_right_arithmetic3A_141 : i32
    %mul3A_143 = arith.constant 128 : i32
    %mul3A_144 = arith.muli %shift_right_arithmetic3A_142, %mul3A_143 : i32
    %multiple_of3A_145 = tpu.assume_multiple %mul3A_144, 128 : i32
    %dma_start3A_146 = arith.constant 7 : i32
    %dma_start3A_147 = arith.constant 0 : i32
    %dma_start3A_148 = arith.constant 0 : i32
    %dma_start3A_149 = tpu.memref_slice %arg6[%dma_start3A_146, %dma_start3A_147, %dma_start3A_148] : memref<16x16x128xf32, #tpu.memory_space<vmem>> -> memref<1x16x128xf32, #tpu.memory_space<vmem>>
    %dma_start3A_150 = tpu.memref_squeeze %dma_start3A_149 : memref<1x16x128xf32, #tpu.memory_space<vmem>> -> memref<16x128xf32, #tpu.memory_space<vmem>>
    %dma_start3A_151 = arith.constant 0 : i32
    %dma_start3A_152 = tpu.memref_slice %arg3[%dma_start3A_151, %multiple_of3A_145] : memref<16x1000000xf32, #tpu.memory_space<hbm>> -> memref<16x128xf32, #tpu.memory_space<hbm>>
    %dma_start3A_153 = arith.constant 0 : i32
    %dma_start3A_154 = arith.constant 0 : i32
    %dma_start3A_155 = tpu.memref_slice %arg6[%dma_start3A_146, %dma_start3A_153, %dma_start3A_154] : memref<16x16x128xf32, #tpu.memory_space<vmem>> -> memref<1x16x128xf32, #tpu.memory_space<vmem>>
    %dma_start3A_156 = tpu.memref_squeeze %dma_start3A_155 : memref<1x16x128xf32, #tpu.memory_space<vmem>> -> memref<16x128xf32, #tpu.memory_space<vmem>>
    %dma_start3A_157 = arith.constant 0 : i32
    %dma_start3A_158 = tpu.memref_slice %arg3[%dma_start3A_157, %multiple_of3A_145] : memref<16x1000000xf32, #tpu.memory_space<hbm>> -> memref<16x128xf32, #tpu.memory_space<hbm>>
    tpu.enqueue_dma source(%dma_start3A_158 : memref<16x128xf32, #tpu.memory_space<hbm>>) target(%dma_start3A_156 : memref<16x128xf32, #tpu.memory_space<vmem>>) target_semaphore(%arg15 : memref<!tpu.dma_semaphore, #tpu.memory_space<semaphore_mem>>)
    %slice3A_159 = vector.extract_strided_slice %get3A_3 {offsets = [8], sizes = [1], strides = [1]} : vector<16xi32> to vector<1xi32>
    %squeeze3A_160 = vector.extract %slice3A_159[0] : i32 from vector<1xi32>
    %shift_right_arithmetic3A_161 = arith.constant 7 : i32
    %shift_right_arithmetic3A_162 = arith.shrsi %squeeze3A_160, %shift_right_arithmetic3A_161 : i32
    %mul3A_163 = arith.constant 128 : i32
    %mul3A_164 = arith.muli %shift_right_arithmetic3A_162, %mul3A_163 : i32
    %multiple_of3A_165 = tpu.assume_multiple %mul3A_164, 128 : i32
    %dma_start3A_166 = arith.constant 8 : i32
    %dma_start3A_167 = arith.constant 0 : i32
    %dma_start3A_168 = arith.constant 0 : i32
    %dma_start3A_169 = tpu.memref_slice %arg6[%dma_start3A_166, %dma_start3A_167, %dma_start3A_168] : memref<16x16x128xf32, #tpu.memory_space<vmem>> -> memref<1x16x128xf32, #tpu.memory_space<vmem>>
    %dma_start3A_170 = tpu.memref_squeeze %dma_start3A_169 : memref<1x16x128xf32, #tpu.memory_space<vmem>> -> memref<16x128xf32, #tpu.memory_space<vmem>>
    %dma_start3A_171 = arith.constant 0 : i32
    %dma_start3A_172 = tpu.memref_slice %arg3[%dma_start3A_171, %multiple_of3A_165] : memref<16x1000000xf32, #tpu.memory_space<hbm>> -> memref<16x128xf32, #tpu.memory_space<hbm>>
    %dma_start3A_173 = arith.constant 0 : i32
    %dma_start3A_174 = arith.constant 0 : i32
    %dma_start3A_175 = tpu.memref_slice %arg6[%dma_start3A_166, %dma_start3A_173, %dma_start3A_174] : memref<16x16x128xf32, #tpu.memory_space<vmem>> -> memref<1x16x128xf32, #tpu.memory_space<vmem>>
    %dma_start3A_176 = tpu.memref_squeeze %dma_start3A_175 : memref<1x16x128xf32, #tpu.memory_space<vmem>> -> memref<16x128xf32, #tpu.memory_space<vmem>>
    %dma_start3A_177 = arith.constant 0 : i32
    %dma_start3A_178 = tpu.memref_slice %arg3[%dma_start3A_177, %multiple_of3A_165] : memref<16x1000000xf32, #tpu.memory_space<hbm>> -> memref<16x128xf32, #tpu.memory_space<hbm>>
    tpu.enqueue_dma source(%dma_start3A_178 : memref<16x128xf32, #tpu.memory_space<hbm>>) target(%dma_start3A_176 : memref<16x128xf32, #tpu.memory_space<vmem>>) target_semaphore(%arg16 : memref<!tpu.dma_semaphore, #tpu.memory_space<semaphore_mem>>)
    %slice3A_179 = vector.extract_strided_slice %get3A_3 {offsets = [9], sizes = [1], strides = [1]} : vector<16xi32> to vector<1xi32>
    %squeeze3A_180 = vector.extract %slice3A_179[0] : i32 from vector<1xi32>
    %shift_right_arithmetic3A_181 = arith.constant 7 : i32
    %shift_right_arithmetic3A_182 = arith.shrsi %squeeze3A_180, %shift_right_arithmetic3A_181 : i32
    %mul3A_183 = arith.constant 128 : i32
    %mul3A_184 = arith.muli %shift_right_arithmetic3A_182, %mul3A_183 : i32
    %multiple_of3A_185 = tpu.assume_multiple %mul3A_184, 128 : i32
    %dma_start3A_186 = arith.constant 9 : i32
    %dma_start3A_187 = arith.constant 0 : i32
    %dma_start3A_188 = arith.constant 0 : i32
    %dma_start3A_189 = tpu.memref_slice %arg6[%dma_start3A_186, %dma_start3A_187, %dma_start3A_188] : memref<16x16x128xf32, #tpu.memory_space<vmem>> -> memref<1x16x128xf32, #tpu.memory_space<vmem>>
    %dma_start3A_190 = tpu.memref_squeeze %dma_start3A_189 : memref<1x16x128xf32, #tpu.memory_space<vmem>> -> memref<16x128xf32, #tpu.memory_space<vmem>>
    %dma_start3A_191 = arith.constant 0 : i32
    %dma_start3A_192 = tpu.memref_slice %arg3[%dma_start3A_191, %multiple_of3A_185] : memref<16x1000000xf32, #tpu.memory_space<hbm>> -> memref<16x128xf32, #tpu.memory_space<hbm>>
    %dma_start3A_193 = arith.constant 0 : i32
    %dma_start3A_194 = arith.constant 0 : i32
    %dma_start3A_195 = tpu.memref_slice %arg6[%dma_start3A_186, %dma_start3A_193, %dma_start3A_194] : memref<16x16x128xf32, #tpu.memory_space<vmem>> -> memref<1x16x128xf32, #tpu.memory_space<vmem>>
    %dma_start3A_196 = tpu.memref_squeeze %dma_start3A_195 : memref<1x16x128xf32, #tpu.memory_space<vmem>> -> memref<16x128xf32, #tpu.memory_space<vmem>>
    %dma_start3A_197 = arith.constant 0 : i32
    %dma_start3A_198 = tpu.memref_slice %arg3[%dma_start3A_197, %multiple_of3A_185] : memref<16x1000000xf32, #tpu.memory_space<hbm>> -> memref<16x128xf32, #tpu.memory_space<hbm>>
    tpu.enqueue_dma source(%dma_start3A_198 : memref<16x128xf32, #tpu.memory_space<hbm>>) target(%dma_start3A_196 : memref<16x128xf32, #tpu.memory_space<vmem>>) target_semaphore(%arg17 : memref<!tpu.dma_semaphore, #tpu.memory_space<semaphore_mem>>)
    %slice3A_199 = vector.extract_strided_slice %get3A_3 {offsets = [10], sizes = [1], strides = [1]} : vector<16xi32> to vector<1xi32>
    %squeeze3A_200 = vector.extract %slice3A_199[0] : i32 from vector<1xi32>
    %shift_right_arithmetic3A_201 = arith.constant 7 : i32
    %shift_right_arithmetic3A_202 = arith.shrsi %squeeze3A_200, %shift_right_arithmetic3A_201 : i32
    %mul3A_203 = arith.constant 128 : i32
    %mul3A_204 = arith.muli %shift_right_arithmetic3A_202, %mul3A_203 : i32
    %multiple_of3A_205 = tpu.assume_multiple %mul3A_204, 128 : i32
    %dma_start3A_206 = arith.constant 10 : i32
    %dma_start3A_207 = arith.constant 0 : i32
    %dma_start3A_208 = arith.constant 0 : i32
    %dma_start3A_209 = tpu.memref_slice %arg6[%dma_start3A_206, %dma_start3A_207, %dma_start3A_208] : memref<16x16x128xf32, #tpu.memory_space<vmem>> -> memref<1x16x128xf32, #tpu.memory_space<vmem>>
    %dma_start3A_210 = tpu.memref_squeeze %dma_start3A_209 : memref<1x16x128xf32, #tpu.memory_space<vmem>> -> memref<16x128xf32, #tpu.memory_space<vmem>>
    %dma_start3A_211 = arith.constant 0 : i32
    %dma_start3A_212 = tpu.memref_slice %arg3[%dma_start3A_211, %multiple_of3A_205] : memref<16x1000000xf32, #tpu.memory_space<hbm>> -> memref<16x128xf32, #tpu.memory_space<hbm>>
    %dma_start3A_213 = arith.constant 0 : i32
    %dma_start3A_214 = arith.constant 0 : i32
    %dma_start3A_215 = tpu.memref_slice %arg6[%dma_start3A_206, %dma_start3A_213, %dma_start3A_214] : memref<16x16x128xf32, #tpu.memory_space<vmem>> -> memref<1x16x128xf32, #tpu.memory_space<vmem>>
    %dma_start3A_216 = tpu.memref_squeeze %dma_start3A_215 : memref<1x16x128xf32, #tpu.memory_space<vmem>> -> memref<16x128xf32, #tpu.memory_space<vmem>>
    %dma_start3A_217 = arith.constant 0 : i32
    %dma_start3A_218 = tpu.memref_slice %arg3[%dma_start3A_217, %multiple_of3A_205] : memref<16x1000000xf32, #tpu.memory_space<hbm>> -> memref<16x128xf32, #tpu.memory_space<hbm>>
    tpu.enqueue_dma source(%dma_start3A_218 : memref<16x128xf32, #tpu.memory_space<hbm>>) target(%dma_start3A_216 : memref<16x128xf32, #tpu.memory_space<vmem>>) target_semaphore(%arg18 : memref<!tpu.dma_semaphore, #tpu.memory_space<semaphore_mem>>)
    %slice3A_219 = vector.extract_strided_slice %get3A_3 {offsets = [11], sizes = [1], strides = [1]} : vector<16xi32> to vector<1xi32>
    %squeeze3A_220 = vector.extract %slice3A_219[0] : i32 from vector<1xi32>
    %shift_right_arithmetic3A_221 = arith.constant 7 : i32
    %shift_right_arithmetic3A_222 = arith.shrsi %squeeze3A_220, %shift_right_arithmetic3A_221 : i32
    %mul3A_223 = arith.constant 128 : i32
    %mul3A_224 = arith.muli %shift_right_arithmetic3A_222, %mul3A_223 : i32
    %multiple_of3A_225 = tpu.assume_multiple %mul3A_224, 128 : i32
    %dma_start3A_226 = arith.constant 11 : i32
    %dma_start3A_227 = arith.constant 0 : i32
    %dma_start3A_228 = arith.constant 0 : i32
    %dma_start3A_229 = tpu.memref_slice %arg6[%dma_start3A_226, %dma_start3A_227, %dma_start3A_228] : memref<16x16x128xf32, #tpu.memory_space<vmem>> -> memref<1x16x128xf32, #tpu.memory_space<vmem>>
    %dma_start3A_230 = tpu.memref_squeeze %dma_start3A_229 : memref<1x16x128xf32, #tpu.memory_space<vmem>> -> memref<16x128xf32, #tpu.memory_space<vmem>>
    %dma_start3A_231 = arith.constant 0 : i32
    %dma_start3A_232 = tpu.memref_slice %arg3[%dma_start3A_231, %multiple_of3A_225] : memref<16x1000000xf32, #tpu.memory_space<hbm>> -> memref<16x128xf32, #tpu.memory_space<hbm>>
    %dma_start3A_233 = arith.constant 0 : i32
    %dma_start3A_234 = arith.constant 0 : i32
    %dma_start3A_235 = tpu.memref_slice %arg6[%dma_start3A_226, %dma_start3A_233, %dma_start3A_234] : memref<16x16x128xf32, #tpu.memory_space<vmem>> -> memref<1x16x128xf32, #tpu.memory_space<vmem>>
    %dma_start3A_236 = tpu.memref_squeeze %dma_start3A_235 : memref<1x16x128xf32, #tpu.memory_space<vmem>> -> memref<16x128xf32, #tpu.memory_space<vmem>>
    %dma_start3A_237 = arith.constant 0 : i32
    %dma_start3A_238 = tpu.memref_slice %arg3[%dma_start3A_237, %multiple_of3A_225] : memref<16x1000000xf32, #tpu.memory_space<hbm>> -> memref<16x128xf32, #tpu.memory_space<hbm>>
    tpu.enqueue_dma source(%dma_start3A_238 : memref<16x128xf32, #tpu.memory_space<hbm>>) target(%dma_start3A_236 : memref<16x128xf32, #tpu.memory_space<vmem>>) target_semaphore(%arg19 : memref<!tpu.dma_semaphore, #tpu.memory_space<semaphore_mem>>)
    %slice3A_239 = vector.extract_strided_slice %get3A_3 {offsets = [12], sizes = [1], strides = [1]} : vector<16xi32> to vector<1xi32>
    %squeeze3A_240 = vector.extract %slice3A_239[0] : i32 from vector<1xi32>
    %shift_right_arithmetic3A_241 = arith.constant 7 : i32
    %shift_right_arithmetic3A_242 = arith.shrsi %squeeze3A_240, %shift_right_arithmetic3A_241 : i32
    %mul3A_243 = arith.constant 128 : i32
    %mul3A_244 = arith.muli %shift_right_arithmetic3A_242, %mul3A_243 : i32
    %multiple_of3A_245 = tpu.assume_multiple %mul3A_244, 128 : i32
    %dma_start3A_246 = arith.constant 12 : i32
    %dma_start3A_247 = arith.constant 0 : i32
    %dma_start3A_248 = arith.constant 0 : i32
    %dma_start3A_249 = tpu.memref_slice %arg6[%dma_start3A_246, %dma_start3A_247, %dma_start3A_248] : memref<16x16x128xf32, #tpu.memory_space<vmem>> -> memref<1x16x128xf32, #tpu.memory_space<vmem>>
    %dma_start3A_250 = tpu.memref_squeeze %dma_start3A_249 : memref<1x16x128xf32, #tpu.memory_space<vmem>> -> memref<16x128xf32, #tpu.memory_space<vmem>>
    %dma_start3A_251 = arith.constant 0 : i32
    %dma_start3A_252 = tpu.memref_slice %arg3[%dma_start3A_251, %multiple_of3A_245] : memref<16x1000000xf32, #tpu.memory_space<hbm>> -> memref<16x128xf32, #tpu.memory_space<hbm>>
    %dma_start3A_253 = arith.constant 0 : i32
    %dma_start3A_254 = arith.constant 0 : i32
    %dma_start3A_255 = tpu.memref_slice %arg6[%dma_start3A_246, %dma_start3A_253, %dma_start3A_254] : memref<16x16x128xf32, #tpu.memory_space<vmem>> -> memref<1x16x128xf32, #tpu.memory_space<vmem>>
    %dma_start3A_256 = tpu.memref_squeeze %dma_start3A_255 : memref<1x16x128xf32, #tpu.memory_space<vmem>> -> memref<16x128xf32, #tpu.memory_space<vmem>>
    %dma_start3A_257 = arith.constant 0 : i32
    %dma_start3A_258 = tpu.memref_slice %arg3[%dma_start3A_257, %multiple_of3A_245] : memref<16x1000000xf32, #tpu.memory_space<hbm>> -> memref<16x128xf32, #tpu.memory_space<hbm>>
    tpu.enqueue_dma source(%dma_start3A_258 : memref<16x128xf32, #tpu.memory_space<hbm>>) target(%dma_start3A_256 : memref<16x128xf32, #tpu.memory_space<vmem>>) target_semaphore(%arg20 : memref<!tpu.dma_semaphore, #tpu.memory_space<semaphore_mem>>)
    %slice3A_259 = vector.extract_strided_slice %get3A_3 {offsets = [13], sizes = [1], strides = [1]} : vector<16xi32> to vector<1xi32>
    %squeeze3A_260 = vector.extract %slice3A_259[0] : i32 from vector<1xi32>
    %shift_right_arithmetic3A_261 = arith.constant 7 : i32
    %shift_right_arithmetic3A_262 = arith.shrsi %squeeze3A_260, %shift_right_arithmetic3A_261 : i32
    %mul3A_263 = arith.constant 128 : i32
    %mul3A_264 = arith.muli %shift_right_arithmetic3A_262, %mul3A_263 : i32
    %multiple_of3A_265 = tpu.assume_multiple %mul3A_264, 128 : i32
    %dma_start3A_266 = arith.constant 13 : i32
    %dma_start3A_267 = arith.constant 0 : i32
    %dma_start3A_268 = arith.constant 0 : i32
    %dma_start3A_269 = tpu.memref_slice %arg6[%dma_start3A_266, %dma_start3A_267, %dma_start3A_268] : memref<16x16x128xf32, #tpu.memory_space<vmem>> -> memref<1x16x128xf32, #tpu.memory_space<vmem>>
    %dma_start3A_270 = tpu.memref_squeeze %dma_start3A_269 : memref<1x16x128xf32, #tpu.memory_space<vmem>> -> memref<16x128xf32, #tpu.memory_space<vmem>>
    %dma_start3A_271 = arith.constant 0 : i32
    %dma_start3A_272 = tpu.memref_slice %arg3[%dma_start3A_271, %multiple_of3A_265] : memref<16x1000000xf32, #tpu.memory_space<hbm>> -> memref<16x128xf32, #tpu.memory_space<hbm>>
    %dma_start3A_273 = arith.constant 0 : i32
    %dma_start3A_274 = arith.constant 0 : i32
    %dma_start3A_275 = tpu.memref_slice %arg6[%dma_start3A_266, %dma_start3A_273, %dma_start3A_274] : memref<16x16x128xf32, #tpu.memory_space<vmem>> -> memref<1x16x128xf32, #tpu.memory_space<vmem>>
    %dma_start3A_276 = tpu.memref_squeeze %dma_start3A_275 : memref<1x16x128xf32, #tpu.memory_space<vmem>> -> memref<16x128xf32, #tpu.memory_space<vmem>>
    %dma_start3A_277 = arith.constant 0 : i32
    %dma_start3A_278 = tpu.memref_slice %arg3[%dma_start3A_277, %multiple_of3A_265] : memref<16x1000000xf32, #tpu.memory_space<hbm>> -> memref<16x128xf32, #tpu.memory_space<hbm>>
    tpu.enqueue_dma source(%dma_start3A_278 : memref<16x128xf32, #tpu.memory_space<hbm>>) target(%dma_start3A_276 : memref<16x128xf32, #tpu.memory_space<vmem>>) target_semaphore(%arg21 : memref<!tpu.dma_semaphore, #tpu.memory_space<semaphore_mem>>)
    %slice3A_279 = vector.extract_strided_slice %get3A_3 {offsets = [14], sizes = [1], strides = [1]} : vector<16xi32> to vector<1xi32>
    %squeeze3A_280 = vector.extract %slice3A_279[0] : i32 from vector<1xi32>
    %shift_right_arithmetic3A_281 = arith.constant 7 : i32
    %shift_right_arithmetic3A_282 = arith.shrsi %squeeze3A_280, %shift_right_arithmetic3A_281 : i32
    %mul3A_283 = arith.constant 128 : i32
    %mul3A_284 = arith.muli %shift_right_arithmetic3A_282, %mul3A_283 : i32
    %multiple_of3A_285 = tpu.assume_multiple %mul3A_284, 128 : i32
    %dma_start3A_286 = arith.constant 14 : i32
    %dma_start3A_287 = arith.constant 0 : i32
    %dma_start3A_288 = arith.constant 0 : i32
    %dma_start3A_289 = tpu.memref_slice %arg6[%dma_start3A_286, %dma_start3A_287, %dma_start3A_288] : memref<16x16x128xf32, #tpu.memory_space<vmem>> -> memref<1x16x128xf32, #tpu.memory_space<vmem>>
    %dma_start3A_290 = tpu.memref_squeeze %dma_start3A_289 : memref<1x16x128xf32, #tpu.memory_space<vmem>> -> memref<16x128xf32, #tpu.memory_space<vmem>>
    %dma_start3A_291 = arith.constant 0 : i32
    %dma_start3A_292 = tpu.memref_slice %arg3[%dma_start3A_291, %multiple_of3A_285] : memref<16x1000000xf32, #tpu.memory_space<hbm>> -> memref<16x128xf32, #tpu.memory_space<hbm>>
    %dma_start3A_293 = arith.constant 0 : i32
    %dma_start3A_294 = arith.constant 0 : i32
    %dma_start3A_295 = tpu.memref_slice %arg6[%dma_start3A_286, %dma_start3A_293, %dma_start3A_294] : memref<16x16x128xf32, #tpu.memory_space<vmem>> -> memref<1x16x128xf32, #tpu.memory_space<vmem>>
    %dma_start3A_296 = tpu.memref_squeeze %dma_start3A_295 : memref<1x16x128xf32, #tpu.memory_space<vmem>> -> memref<16x128xf32, #tpu.memory_space<vmem>>
    %dma_start3A_297 = arith.constant 0 : i32
    %dma_start3A_298 = tpu.memref_slice %arg3[%dma_start3A_297, %multiple_of3A_285] : memref<16x1000000xf32, #tpu.memory_space<hbm>> -> memref<16x128xf32, #tpu.memory_space<hbm>>
    tpu.enqueue_dma source(%dma_start3A_298 : memref<16x128xf32, #tpu.memory_space<hbm>>) target(%dma_start3A_296 : memref<16x128xf32, #tpu.memory_space<vmem>>) target_semaphore(%arg22 : memref<!tpu.dma_semaphore, #tpu.memory_space<semaphore_mem>>)
    %slice3A_299 = vector.extract_strided_slice %get3A_3 {offsets = [15], sizes = [1], strides = [1]} : vector<16xi32> to vector<1xi32>
    %squeeze3A_300 = vector.extract %slice3A_299[0] : i32 from vector<1xi32>
    %shift_right_arithmetic3A_301 = arith.constant 7 : i32
    %shift_right_arithmetic3A_302 = arith.shrsi %squeeze3A_300, %shift_right_arithmetic3A_301 : i32
    %mul3A_303 = arith.constant 128 : i32
    %mul3A_304 = arith.muli %shift_right_arithmetic3A_302, %mul3A_303 : i32
    %multiple_of3A_305 = tpu.assume_multiple %mul3A_304, 128 : i32
    %dma_start3A_306 = arith.constant 15 : i32
    %dma_start3A_307 = arith.constant 0 : i32
    %dma_start3A_308 = arith.constant 0 : i32
    %dma_start3A_309 = tpu.memref_slice %arg6[%dma_start3A_306, %dma_start3A_307, %dma_start3A_308] : memref<16x16x128xf32, #tpu.memory_space<vmem>> -> memref<1x16x128xf32, #tpu.memory_space<vmem>>
    %dma_start3A_310 = tpu.memref_squeeze %dma_start3A_309 : memref<1x16x128xf32, #tpu.memory_space<vmem>> -> memref<16x128xf32, #tpu.memory_space<vmem>>
    %dma_start3A_311 = arith.constant 0 : i32
    %dma_start3A_312 = tpu.memref_slice %arg3[%dma_start3A_311, %multiple_of3A_305] : memref<16x1000000xf32, #tpu.memory_space<hbm>> -> memref<16x128xf32, #tpu.memory_space<hbm>>
    %dma_start3A_313 = arith.constant 0 : i32
    %dma_start3A_314 = arith.constant 0 : i32
    %dma_start3A_315 = tpu.memref_slice %arg6[%dma_start3A_306, %dma_start3A_313, %dma_start3A_314] : memref<16x16x128xf32, #tpu.memory_space<vmem>> -> memref<1x16x128xf32, #tpu.memory_space<vmem>>
    %dma_start3A_316 = tpu.memref_squeeze %dma_start3A_315 : memref<1x16x128xf32, #tpu.memory_space<vmem>> -> memref<16x128xf32, #tpu.memory_space<vmem>>
    %dma_start3A_317 = arith.constant 0 : i32
    %dma_start3A_318 = tpu.memref_slice %arg3[%dma_start3A_317, %multiple_of3A_305] : memref<16x1000000xf32, #tpu.memory_space<hbm>> -> memref<16x128xf32, #tpu.memory_space<hbm>>
    tpu.enqueue_dma source(%dma_start3A_318 : memref<16x128xf32, #tpu.memory_space<hbm>>) target(%dma_start3A_316 : memref<16x128xf32, #tpu.memory_space<vmem>>) target_semaphore(%arg23 : memref<!tpu.dma_semaphore, #tpu.memory_space<semaphore_mem>>)
    %scan3A = arith.constant 0 : i32
    %scan3A_319 = arith.constant 0 : i32
    %scan3A_320 = arith.constant 32 : i32
    %scan3A_321 = arith.addi %scan3A_319, %scan3A_320 : i32
    %scan3A_322 = arith.constant 1 : i32
    scf.for %scan3A_324 = %scan3A_319 to %scan3A_321 step %scan3A_322  : i32 {
      %mul3A_325 = arith.constant 16 : i32
      %mul3A_326 = arith.muli %scan3A_324, %mul3A_325 : i32
      %get3A_327 = arith.index_cast %mul3A_326 : i32 to index
      %get3A_328 = tpu.vector_load %arg5[%get3A_327] {strides = array<i32>} : memref<512xi32, #tpu.memory_space<vmem>>, vector<16xi32>,
      %add3A_329 = arith.constant 1 : i32
      %add3A_330 = arith.addi %scan3A_324, %add3A_329 : i32
      %min3A = arith.constant 31 : i32
      %min3A_331 = arith.minsi %add3A_330, %min3A : i32
      %mul3A_332 = arith.constant 16 : i32
      %mul3A_333 = arith.muli %min3A_331, %mul3A_332 : i32
      %get3A_334 = arith.index_cast %mul3A_333 : i32 to index
      %get3A_335 = tpu.vector_load %arg5[%get3A_334] {strides = array<i32>} : memref<512xi32, #tpu.memory_space<vmem>>, vector<16xi32>,
      %dma_wait3A = arith.constant 0 : i32
      %dma_wait3A_336 = arith.constant 0 : i32
      %dma_wait3A_337 = arith.constant 0 : i32
      %dma_wait3A_338 = tpu.memref_slice %arg6[%dma_wait3A, %dma_wait3A_336, %dma_wait3A_337] : memref<16x16x128xf32, #tpu.memory_space<vmem>> -> memref<1x16x128xf32, #tpu.memory_space<vmem>>
      %dma_wait3A_339 = tpu.memref_squeeze %dma_wait3A_338 : memref<1x16x128xf32, #tpu.memory_space<vmem>> -> memref<16x128xf32, #tpu.memory_space<vmem>>
      %dma_wait3A_340 = arith.constant 0 : i32
      %dma_wait3A_341 = arith.constant 0 : i32
      %dma_wait3A_342 = tpu.memref_slice %arg3[%dma_wait3A_340, %dma_wait3A_341] : memref<16x1000000xf32, #tpu.memory_space<hbm>> -> memref<16x128xf32, #tpu.memory_space<hbm>>
      %dma_wait3A_343 = arith.constant 0 : i32
      %dma_wait3A_344 = arith.constant 0 : i32
      %dma_wait3A_345 = tpu.memref_slice %arg6[%dma_wait3A, %dma_wait3A_343, %dma_wait3A_344] : memref<16x16x128xf32, #tpu.memory_space<vmem>> -> memref<1x16x128xf32, #tpu.memory_space<vmem>>
      %dma_wait3A_346 = tpu.memref_squeeze %dma_wait3A_345 : memref<1x16x128xf32, #tpu.memory_space<vmem>> -> memref<16x128xf32, #tpu.memory_space<vmem>>
      %dma_wait3A_347 = arith.constant 0 : i32
      %dma_wait3A_348 = arith.constant 0 : i32
      %dma_wait3A_349 = tpu.memref_slice %arg3[%dma_wait3A_347, %dma_wait3A_348] : memref<16x1000000xf32, #tpu.memory_space<hbm>> -> memref<16x128xf32, #tpu.memory_space<hbm>>
      tpu.wait_dma2 semaphore(%arg8 : memref<!tpu.dma_semaphore, #tpu.memory_space<semaphore_mem>>) src(%dma_wait3A_349 : memref<16x128xf32, #tpu.memory_space<hbm>>) dst(%dma_wait3A_346 : memref<16x128xf32, #tpu.memory_space<vmem>>)
      %slice3A_350 = vector.extract_strided_slice %get3A_328 {offsets = [0], sizes = [1], strides = [1]} : vector<16xi32> to vector<1xi32>
      %squeeze3A_351 = vector.extract %slice3A_350[0] : i32 from vector<1xi32>
      %and3A = arith.constant 127 : i32
      %and3A_352 = arith.andi %squeeze3A_351, %and3A : i32
      %broadcast_in_dim3A = vector.broadcast %and3A_352 : i32 to vector<16xi32>
      %gather3A = arith.constant 0 : i32
      %gather3A_353 = arith.constant 0 : i32
      %gather3A_354 = arith.constant 0 : i32
      %gather3A_355 = tpu.memref_slice %arg6[%gather3A, %gather3A_353, %gather3A_354] : memref<16x16x128xf32, #tpu.memory_space<vmem>> -> memref<1x16x128xf32, #tpu.memory_space<vmem>>
      %gather3A_356 = tpu.memref_squeeze %gather3A_355 : memref<1x16x128xf32, #tpu.memory_space<vmem>> -> memref<16x128xf32, #tpu.memory_space<vmem>>
      %gather3A_357 = tpu.vector_load_idx %gather3A_356[%iota3A, %broadcast_in_dim3A] : memref<16x128xf32, #tpu.memory_space<vmem>>[vector<16xi32>, vector<16xi32>], vector<16xf32>,
      %mul3A_358 = arith.constant 16 : i32
      %mul3A_359 = arith.muli %scan3A_324, %mul3A_358 : i32
      %add3A_360 = arith.constant 0 : i32
      %add3A_361 = arith.addi %mul3A_359, %add3A_360 : i32
      %broadcast_in_dim3A_362 = vector.broadcast %add3A_361 : i32 to vector<16xi32>
      tpu.vector_store_idx %arg7[%iota3A, %broadcast_in_dim3A_362], %gather3A_357 : memref<16x512xf32, #tpu.memory_space<vmem>>[vector<16xi32>, vector<16xi32>], vector<16xf32>,
      %lt3A = arith.constant 31 : i32
      %lt3A_363 = arith.cmpi slt, %scan3A_324, %lt3A : i32
      %convert_element_type3A = arith.extui %lt3A_363 : i1 to i32
      %cond3A = arith.constant 0 : i32
      %cond3A_364 = arith.cmpi ne, %convert_element_type3A, %cond3A : i32
      scf.if %cond3A_364 {
        %slice3A_905 = vector.extract_strided_slice %get3A_335 {offsets = [0], sizes = [1], strides = [1]} : vector<16xi32> to vector<1xi32>
        %squeeze3A_906 = vector.extract %slice3A_905[0] : i32 from vector<1xi32>
        %shift_right_arithmetic3A_907 = arith.constant 7 : i32
        %shift_right_arithmetic3A_908 = arith.shrsi %squeeze3A_906, %shift_right_arithmetic3A_907 : i32
        %mul3A_909 = arith.constant 128 : i32
        %mul3A_910 = arith.muli %shift_right_arithmetic3A_908, %mul3A_909 : i32
        %multiple_of3A_911 = tpu.assume_multiple %mul3A_910, 128 : i32
        %dma_start3A_912 = arith.constant 0 : i32
        %dma_start3A_913 = arith.constant 0 : i32
        %dma_start3A_914 = arith.constant 0 : i32
        %dma_start3A_915 = tpu.memref_slice %arg6[%dma_start3A_912, %dma_start3A_913, %dma_start3A_914] : memref<16x16x128xf32, #tpu.memory_space<vmem>> -> memref<1x16x128xf32, #tpu.memory_space<vmem>>
        %dma_start3A_916 = tpu.memref_squeeze %dma_start3A_915 : memref<1x16x128xf32, #tpu.memory_space<vmem>> -> memref<16x128xf32, #tpu.memory_space<vmem>>
        %dma_start3A_917 = arith.constant 0 : i32
        %dma_start3A_918 = tpu.memref_slice %arg3[%dma_start3A_917, %multiple_of3A_911] : memref<16x1000000xf32, #tpu.memory_space<hbm>> -> memref<16x128xf32, #tpu.memory_space<hbm>>
        %dma_start3A_919 = arith.constant 0 : i32
        %dma_start3A_920 = arith.constant 0 : i32
        %dma_start3A_921 = tpu.memref_slice %arg6[%dma_start3A_912, %dma_start3A_919, %dma_start3A_920] : memref<16x16x128xf32, #tpu.memory_space<vmem>> -> memref<1x16x128xf32, #tpu.memory_space<vmem>>
        %dma_start3A_922 = tpu.memref_squeeze %dma_start3A_921 : memref<1x16x128xf32, #tpu.memory_space<vmem>> -> memref<16x128xf32, #tpu.memory_space<vmem>>
        %dma_start3A_923 = arith.constant 0 : i32
        %dma_start3A_924 = tpu.memref_slice %arg3[%dma_start3A_923, %multiple_of3A_911] : memref<16x1000000xf32, #tpu.memory_space<hbm>> -> memref<16x128xf32, #tpu.memory_space<hbm>>
        tpu.enqueue_dma source(%dma_start3A_924 : memref<16x128xf32, #tpu.memory_space<hbm>>) target(%dma_start3A_922 : memref<16x128xf32, #tpu.memory_space<vmem>>) target_semaphore(%arg8 : memref<!tpu.dma_semaphore, #tpu.memory_space<semaphore_mem>>)
      } else {
      }
      %dma_wait3A_365 = arith.constant 1 : i32
      %dma_wait3A_366 = arith.constant 0 : i32
      %dma_wait3A_367 = arith.constant 0 : i32
      %dma_wait3A_368 = tpu.memref_slice %arg6[%dma_wait3A_365, %dma_wait3A_366, %dma_wait3A_367] : memref<16x16x128xf32, #tpu.memory_space<vmem>> -> memref<1x16x128xf32, #tpu.memory_space<vmem>>
      %dma_wait3A_369 = tpu.memref_squeeze %dma_wait3A_368 : memref<1x16x128xf32, #tpu.memory_space<vmem>> -> memref<16x128xf32, #tpu.memory_space<vmem>>
      %dma_wait3A_370 = arith.constant 0 : i32
      %dma_wait3A_371 = arith.constant 0 : i32
      %dma_wait3A_372 = tpu.memref_slice %arg3[%dma_wait3A_370, %dma_wait3A_371] : memref<16x1000000xf32, #tpu.memory_space<hbm>> -> memref<16x128xf32, #tpu.memory_space<hbm>>
      %dma_wait3A_373 = arith.constant 0 : i32
      %dma_wait3A_374 = arith.constant 0 : i32
      %dma_wait3A_375 = tpu.memref_slice %arg6[%dma_wait3A_365, %dma_wait3A_373, %dma_wait3A_374] : memref<16x16x128xf32, #tpu.memory_space<vmem>> -> memref<1x16x128xf32, #tpu.memory_space<vmem>>
      %dma_wait3A_376 = tpu.memref_squeeze %dma_wait3A_375 : memref<1x16x128xf32, #tpu.memory_space<vmem>> -> memref<16x128xf32, #tpu.memory_space<vmem>>
      %dma_wait3A_377 = arith.constant 0 : i32
      %dma_wait3A_378 = arith.constant 0 : i32
      %dma_wait3A_379 = tpu.memref_slice %arg3[%dma_wait3A_377, %dma_wait3A_378] : memref<16x1000000xf32, #tpu.memory_space<hbm>> -> memref<16x128xf32, #tpu.memory_space<hbm>>
      tpu.wait_dma2 semaphore(%arg9 : memref<!tpu.dma_semaphore, #tpu.memory_space<semaphore_mem>>) src(%dma_wait3A_379 : memref<16x128xf32, #tpu.memory_space<hbm>>) dst(%dma_wait3A_376 : memref<16x128xf32, #tpu.memory_space<vmem>>)
      %slice3A_380 = vector.extract_strided_slice %get3A_328 {offsets = [1], sizes = [1], strides = [1]} : vector<16xi32> to vector<1xi32>
      %squeeze3A_381 = vector.extract %slice3A_380[0] : i32 from vector<1xi32>
      %and3A_382 = arith.constant 127 : i32
      %and3A_383 = arith.andi %squeeze3A_381, %and3A_382 : i32
      %broadcast_in_dim3A_384 = vector.broadcast %and3A_383 : i32 to vector<16xi32>
      %gather3A_385 = arith.constant 1 : i32
      %gather3A_386 = arith.constant 0 : i32
      %gather3A_387 = arith.constant 0 : i32
      %gather3A_388 = tpu.memref_slice %arg6[%gather3A_385, %gather3A_386, %gather3A_387] : memref<16x16x128xf32, #tpu.memory_space<vmem>> -> memref<1x16x128xf32, #tpu.memory_space<vmem>>
      %gather3A_389 = tpu.memref_squeeze %gather3A_388 : memref<1x16x128xf32, #tpu.memory_space<vmem>> -> memref<16x128xf32, #tpu.memory_space<vmem>>
      %gather3A_390 = tpu.vector_load_idx %gather3A_389[%iota3A, %broadcast_in_dim3A_384] : memref<16x128xf32, #tpu.memory_space<vmem>>[vector<16xi32>, vector<16xi32>], vector<16xf32>,
      %mul3A_391 = arith.constant 16 : i32
      %mul3A_392 = arith.muli %scan3A_324, %mul3A_391 : i32
      %add3A_393 = arith.constant 1 : i32
      %add3A_394 = arith.addi %mul3A_392, %add3A_393 : i32
      %broadcast_in_dim3A_395 = vector.broadcast %add3A_394 : i32 to vector<16xi32>
      tpu.vector_store_idx %arg7[%iota3A, %broadcast_in_dim3A_395], %gather3A_390 : memref<16x512xf32, #tpu.memory_space<vmem>>[vector<16xi32>, vector<16xi32>], vector<16xf32>,
      %lt3A_396 = arith.constant 31 : i32
      %lt3A_397 = arith.cmpi slt, %scan3A_324, %lt3A_396 : i32
      %convert_element_type3A_398 = arith.extui %lt3A_397 : i1 to i32
      %cond3A_399 = arith.constant 0 : i32
      %cond3A_400 = arith.cmpi ne, %convert_element_type3A_398, %cond3A_399 : i32
      scf.if %cond3A_400 {
        %slice3A_905 = vector.extract_strided_slice %get3A_335 {offsets = [1], sizes = [1], strides = [1]} : vector<16xi32> to vector<1xi32>
        %squeeze3A_906 = vector.extract %slice3A_905[0] : i32 from vector<1xi32>
        %shift_right_arithmetic3A_907 = arith.constant 7 : i32
        %shift_right_arithmetic3A_908 = arith.shrsi %squeeze3A_906, %shift_right_arithmetic3A_907 : i32
        %mul3A_909 = arith.constant 128 : i32
        %mul3A_910 = arith.muli %shift_right_arithmetic3A_908, %mul3A_909 : i32
        %multiple_of3A_911 = tpu.assume_multiple %mul3A_910, 128 : i32
        %dma_start3A_912 = arith.constant 1 : i32
        %dma_start3A_913 = arith.constant 0 : i32
        %dma_start3A_914 = arith.constant 0 : i32
        %dma_start3A_915 = tpu.memref_slice %arg6[%dma_start3A_912, %dma_start3A_913, %dma_start3A_914] : memref<16x16x128xf32, #tpu.memory_space<vmem>> -> memref<1x16x128xf32, #tpu.memory_space<vmem>>
        %dma_start3A_916 = tpu.memref_squeeze %dma_start3A_915 : memref<1x16x128xf32, #tpu.memory_space<vmem>> -> memref<16x128xf32, #tpu.memory_space<vmem>>
        %dma_start3A_917 = arith.constant 0 : i32
        %dma_start3A_918 = tpu.memref_slice %arg3[%dma_start3A_917, %multiple_of3A_911] : memref<16x1000000xf32, #tpu.memory_space<hbm>> -> memref<16x128xf32, #tpu.memory_space<hbm>>
        %dma_start3A_919 = arith.constant 0 : i32
        %dma_start3A_920 = arith.constant 0 : i32
        %dma_start3A_921 = tpu.memref_slice %arg6[%dma_start3A_912, %dma_start3A_919, %dma_start3A_920] : memref<16x16x128xf32, #tpu.memory_space<vmem>> -> memref<1x16x128xf32, #tpu.memory_space<vmem>>
        %dma_start3A_922 = tpu.memref_squeeze %dma_start3A_921 : memref<1x16x128xf32, #tpu.memory_space<vmem>> -> memref<16x128xf32, #tpu.memory_space<vmem>>
        %dma_start3A_923 = arith.constant 0 : i32
        %dma_start3A_924 = tpu.memref_slice %arg3[%dma_start3A_923, %multiple_of3A_911] : memref<16x1000000xf32, #tpu.memory_space<hbm>> -> memref<16x128xf32, #tpu.memory_space<hbm>>
        tpu.enqueue_dma source(%dma_start3A_924 : memref<16x128xf32, #tpu.memory_space<hbm>>) target(%dma_start3A_922 : memref<16x128xf32, #tpu.memory_space<vmem>>) target_semaphore(%arg9 : memref<!tpu.dma_semaphore, #tpu.memory_space<semaphore_mem>>)
      } else {
      }
      %dma_wait3A_401 = arith.constant 2 : i32
      %dma_wait3A_402 = arith.constant 0 : i32
      %dma_wait3A_403 = arith.constant 0 : i32
      %dma_wait3A_404 = tpu.memref_slice %arg6[%dma_wait3A_401, %dma_wait3A_402, %dma_wait3A_403] : memref<16x16x128xf32, #tpu.memory_space<vmem>> -> memref<1x16x128xf32, #tpu.memory_space<vmem>>
      %dma_wait3A_405 = tpu.memref_squeeze %dma_wait3A_404 : memref<1x16x128xf32, #tpu.memory_space<vmem>> -> memref<16x128xf32, #tpu.memory_space<vmem>>
      %dma_wait3A_406 = arith.constant 0 : i32
      %dma_wait3A_407 = arith.constant 0 : i32
      %dma_wait3A_408 = tpu.memref_slice %arg3[%dma_wait3A_406, %dma_wait3A_407] : memref<16x1000000xf32, #tpu.memory_space<hbm>> -> memref<16x128xf32, #tpu.memory_space<hbm>>
      %dma_wait3A_409 = arith.constant 0 : i32
      %dma_wait3A_410 = arith.constant 0 : i32
      %dma_wait3A_411 = tpu.memref_slice %arg6[%dma_wait3A_401, %dma_wait3A_409, %dma_wait3A_410] : memref<16x16x128xf32, #tpu.memory_space<vmem>> -> memref<1x16x128xf32, #tpu.memory_space<vmem>>
      %dma_wait3A_412 = tpu.memref_squeeze %dma_wait3A_411 : memref<1x16x128xf32, #tpu.memory_space<vmem>> -> memref<16x128xf32, #tpu.memory_space<vmem>>
      %dma_wait3A_413 = arith.constant 0 : i32
      %dma_wait3A_414 = arith.constant 0 : i32
      %dma_wait3A_415 = tpu.memref_slice %arg3[%dma_wait3A_413, %dma_wait3A_414] : memref<16x1000000xf32, #tpu.memory_space<hbm>> -> memref<16x128xf32, #tpu.memory_space<hbm>>
      tpu.wait_dma2 semaphore(%arg10 : memref<!tpu.dma_semaphore, #tpu.memory_space<semaphore_mem>>) src(%dma_wait3A_415 : memref<16x128xf32, #tpu.memory_space<hbm>>) dst(%dma_wait3A_412 : memref<16x128xf32, #tpu.memory_space<vmem>>)
      %slice3A_416 = vector.extract_strided_slice %get3A_328 {offsets = [2], sizes = [1], strides = [1]} : vector<16xi32> to vector<1xi32>
      %squeeze3A_417 = vector.extract %slice3A_416[0] : i32 from vector<1xi32>
      %and3A_418 = arith.constant 127 : i32
      %and3A_419 = arith.andi %squeeze3A_417, %and3A_418 : i32
      %broadcast_in_dim3A_420 = vector.broadcast %and3A_419 : i32 to vector<16xi32>
      %gather3A_421 = arith.constant 2 : i32
      %gather3A_422 = arith.constant 0 : i32
      %gather3A_423 = arith.constant 0 : i32
      %gather3A_424 = tpu.memref_slice %arg6[%gather3A_421, %gather3A_422, %gather3A_423] : memref<16x16x128xf32, #tpu.memory_space<vmem>> -> memref<1x16x128xf32, #tpu.memory_space<vmem>>
      %gather3A_425 = tpu.memref_squeeze %gather3A_424 : memref<1x16x128xf32, #tpu.memory_space<vmem>> -> memref<16x128xf32, #tpu.memory_space<vmem>>
      %gather3A_426 = tpu.vector_load_idx %gather3A_425[%iota3A, %broadcast_in_dim3A_420] : memref<16x128xf32, #tpu.memory_space<vmem>>[vector<16xi32>, vector<16xi32>], vector<16xf32>,
      %mul3A_427 = arith.constant 16 : i32
      %mul3A_428 = arith.muli %scan3A_324, %mul3A_427 : i32
      %add3A_429 = arith.constant 2 : i32
      %add3A_430 = arith.addi %mul3A_428, %add3A_429 : i32
      %broadcast_in_dim3A_431 = vector.broadcast %add3A_430 : i32 to vector<16xi32>
      tpu.vector_store_idx %arg7[%iota3A, %broadcast_in_dim3A_431], %gather3A_426 : memref<16x512xf32, #tpu.memory_space<vmem>>[vector<16xi32>, vector<16xi32>], vector<16xf32>,
      %lt3A_432 = arith.constant 31 : i32
      %lt3A_433 = arith.cmpi slt, %scan3A_324, %lt3A_432 : i32
      %convert_element_type3A_434 = arith.extui %lt3A_433 : i1 to i32
      %cond3A_435 = arith.constant 0 : i32
      %cond3A_436 = arith.cmpi ne, %convert_element_type3A_434, %cond3A_435 : i32
      scf.if %cond3A_436 {
        %slice3A_905 = vector.extract_strided_slice %get3A_335 {offsets = [2], sizes = [1], strides = [1]} : vector<16xi32> to vector<1xi32>
        %squeeze3A_906 = vector.extract %slice3A_905[0] : i32 from vector<1xi32>
        %shift_right_arithmetic3A_907 = arith.constant 7 : i32
        %shift_right_arithmetic3A_908 = arith.shrsi %squeeze3A_906, %shift_right_arithmetic3A_907 : i32
        %mul3A_909 = arith.constant 128 : i32
        %mul3A_910 = arith.muli %shift_right_arithmetic3A_908, %mul3A_909 : i32
        %multiple_of3A_911 = tpu.assume_multiple %mul3A_910, 128 : i32
        %dma_start3A_912 = arith.constant 2 : i32
        %dma_start3A_913 = arith.constant 0 : i32
        %dma_start3A_914 = arith.constant 0 : i32
        %dma_start3A_915 = tpu.memref_slice %arg6[%dma_start3A_912, %dma_start3A_913, %dma_start3A_914] : memref<16x16x128xf32, #tpu.memory_space<vmem>> -> memref<1x16x128xf32, #tpu.memory_space<vmem>>
        %dma_start3A_916 = tpu.memref_squeeze %dma_start3A_915 : memref<1x16x128xf32, #tpu.memory_space<vmem>> -> memref<16x128xf32, #tpu.memory_space<vmem>>
        %dma_start3A_917 = arith.constant 0 : i32
        %dma_start3A_918 = tpu.memref_slice %arg3[%dma_start3A_917, %multiple_of3A_911] : memref<16x1000000xf32, #tpu.memory_space<hbm>> -> memref<16x128xf32, #tpu.memory_space<hbm>>
        %dma_start3A_919 = arith.constant 0 : i32
        %dma_start3A_920 = arith.constant 0 : i32
        %dma_start3A_921 = tpu.memref_slice %arg6[%dma_start3A_912, %dma_start3A_919, %dma_start3A_920] : memref<16x16x128xf32, #tpu.memory_space<vmem>> -> memref<1x16x128xf32, #tpu.memory_space<vmem>>
        %dma_start3A_922 = tpu.memref_squeeze %dma_start3A_921 : memref<1x16x128xf32, #tpu.memory_space<vmem>> -> memref<16x128xf32, #tpu.memory_space<vmem>>
        %dma_start3A_923 = arith.constant 0 : i32
        %dma_start3A_924 = tpu.memref_slice %arg3[%dma_start3A_923, %multiple_of3A_911] : memref<16x1000000xf32, #tpu.memory_space<hbm>> -> memref<16x128xf32, #tpu.memory_space<hbm>>
        tpu.enqueue_dma source(%dma_start3A_924 : memref<16x128xf32, #tpu.memory_space<hbm>>) target(%dma_start3A_922 : memref<16x128xf32, #tpu.memory_space<vmem>>) target_semaphore(%arg10 : memref<!tpu.dma_semaphore, #tpu.memory_space<semaphore_mem>>)
      } else {
      }
      %dma_wait3A_437 = arith.constant 3 : i32
      %dma_wait3A_438 = arith.constant 0 : i32
      %dma_wait3A_439 = arith.constant 0 : i32
      %dma_wait3A_440 = tpu.memref_slice %arg6[%dma_wait3A_437, %dma_wait3A_438, %dma_wait3A_439] : memref<16x16x128xf32, #tpu.memory_space<vmem>> -> memref<1x16x128xf32, #tpu.memory_space<vmem>>
      %dma_wait3A_441 = tpu.memref_squeeze %dma_wait3A_440 : memref<1x16x128xf32, #tpu.memory_space<vmem>> -> memref<16x128xf32, #tpu.memory_space<vmem>>
      %dma_wait3A_442 = arith.constant 0 : i32
      %dma_wait3A_443 = arith.constant 0 : i32
      %dma_wait3A_444 = tpu.memref_slice %arg3[%dma_wait3A_442, %dma_wait3A_443] : memref<16x1000000xf32, #tpu.memory_space<hbm>> -> memref<16x128xf32, #tpu.memory_space<hbm>>
      %dma_wait3A_445 = arith.constant 0 : i32
      %dma_wait3A_446 = arith.constant 0 : i32
      %dma_wait3A_447 = tpu.memref_slice %arg6[%dma_wait3A_437, %dma_wait3A_445, %dma_wait3A_446] : memref<16x16x128xf32, #tpu.memory_space<vmem>> -> memref<1x16x128xf32, #tpu.memory_space<vmem>>
      %dma_wait3A_448 = tpu.memref_squeeze %dma_wait3A_447 : memref<1x16x128xf32, #tpu.memory_space<vmem>> -> memref<16x128xf32, #tpu.memory_space<vmem>>
      %dma_wait3A_449 = arith.constant 0 : i32
      %dma_wait3A_450 = arith.constant 0 : i32
      %dma_wait3A_451 = tpu.memref_slice %arg3[%dma_wait3A_449, %dma_wait3A_450] : memref<16x1000000xf32, #tpu.memory_space<hbm>> -> memref<16x128xf32, #tpu.memory_space<hbm>>
      tpu.wait_dma2 semaphore(%arg11 : memref<!tpu.dma_semaphore, #tpu.memory_space<semaphore_mem>>) src(%dma_wait3A_451 : memref<16x128xf32, #tpu.memory_space<hbm>>) dst(%dma_wait3A_448 : memref<16x128xf32, #tpu.memory_space<vmem>>)
      %slice3A_452 = vector.extract_strided_slice %get3A_328 {offsets = [3], sizes = [1], strides = [1]} : vector<16xi32> to vector<1xi32>
      %squeeze3A_453 = vector.extract %slice3A_452[0] : i32 from vector<1xi32>
      %and3A_454 = arith.constant 127 : i32
      %and3A_455 = arith.andi %squeeze3A_453, %and3A_454 : i32
      %broadcast_in_dim3A_456 = vector.broadcast %and3A_455 : i32 to vector<16xi32>
      %gather3A_457 = arith.constant 3 : i32
      %gather3A_458 = arith.constant 0 : i32
      %gather3A_459 = arith.constant 0 : i32
      %gather3A_460 = tpu.memref_slice %arg6[%gather3A_457, %gather3A_458, %gather3A_459] : memref<16x16x128xf32, #tpu.memory_space<vmem>> -> memref<1x16x128xf32, #tpu.memory_space<vmem>>
      %gather3A_461 = tpu.memref_squeeze %gather3A_460 : memref<1x16x128xf32, #tpu.memory_space<vmem>> -> memref<16x128xf32, #tpu.memory_space<vmem>>
      %gather3A_462 = tpu.vector_load_idx %gather3A_461[%iota3A, %broadcast_in_dim3A_456] : memref<16x128xf32, #tpu.memory_space<vmem>>[vector<16xi32>, vector<16xi32>], vector<16xf32>,
      %mul3A_463 = arith.constant 16 : i32
      %mul3A_464 = arith.muli %scan3A_324, %mul3A_463 : i32
      %add3A_465 = arith.constant 3 : i32
      %add3A_466 = arith.addi %mul3A_464, %add3A_465 : i32
      %broadcast_in_dim3A_467 = vector.broadcast %add3A_466 : i32 to vector<16xi32>
      tpu.vector_store_idx %arg7[%iota3A, %broadcast_in_dim3A_467], %gather3A_462 : memref<16x512xf32, #tpu.memory_space<vmem>>[vector<16xi32>, vector<16xi32>], vector<16xf32>,
      %lt3A_468 = arith.constant 31 : i32
      %lt3A_469 = arith.cmpi slt, %scan3A_324, %lt3A_468 : i32
      %convert_element_type3A_470 = arith.extui %lt3A_469 : i1 to i32
      %cond3A_471 = arith.constant 0 : i32
      %cond3A_472 = arith.cmpi ne, %convert_element_type3A_470, %cond3A_471 : i32
      scf.if %cond3A_472 {
        %slice3A_905 = vector.extract_strided_slice %get3A_335 {offsets = [3], sizes = [1], strides = [1]} : vector<16xi32> to vector<1xi32>
        %squeeze3A_906 = vector.extract %slice3A_905[0] : i32 from vector<1xi32>
        %shift_right_arithmetic3A_907 = arith.constant 7 : i32
        %shift_right_arithmetic3A_908 = arith.shrsi %squeeze3A_906, %shift_right_arithmetic3A_907 : i32
        %mul3A_909 = arith.constant 128 : i32
        %mul3A_910 = arith.muli %shift_right_arithmetic3A_908, %mul3A_909 : i32
        %multiple_of3A_911 = tpu.assume_multiple %mul3A_910, 128 : i32
        %dma_start3A_912 = arith.constant 3 : i32
        %dma_start3A_913 = arith.constant 0 : i32
        %dma_start3A_914 = arith.constant 0 : i32
        %dma_start3A_915 = tpu.memref_slice %arg6[%dma_start3A_912, %dma_start3A_913, %dma_start3A_914] : memref<16x16x128xf32, #tpu.memory_space<vmem>> -> memref<1x16x128xf32, #tpu.memory_space<vmem>>
        %dma_start3A_916 = tpu.memref_squeeze %dma_start3A_915 : memref<1x16x128xf32, #tpu.memory_space<vmem>> -> memref<16x128xf32, #tpu.memory_space<vmem>>
        %dma_start3A_917 = arith.constant 0 : i32
        %dma_start3A_918 = tpu.memref_slice %arg3[%dma_start3A_917, %multiple_of3A_911] : memref<16x1000000xf32, #tpu.memory_space<hbm>> -> memref<16x128xf32, #tpu.memory_space<hbm>>
        %dma_start3A_919 = arith.constant 0 : i32
        %dma_start3A_920 = arith.constant 0 : i32
        %dma_start3A_921 = tpu.memref_slice %arg6[%dma_start3A_912, %dma_start3A_919, %dma_start3A_920] : memref<16x16x128xf32, #tpu.memory_space<vmem>> -> memref<1x16x128xf32, #tpu.memory_space<vmem>>
        %dma_start3A_922 = tpu.memref_squeeze %dma_start3A_921 : memref<1x16x128xf32, #tpu.memory_space<vmem>> -> memref<16x128xf32, #tpu.memory_space<vmem>>
        %dma_start3A_923 = arith.constant 0 : i32
        %dma_start3A_924 = tpu.memref_slice %arg3[%dma_start3A_923, %multiple_of3A_911] : memref<16x1000000xf32, #tpu.memory_space<hbm>> -> memref<16x128xf32, #tpu.memory_space<hbm>>
        tpu.enqueue_dma source(%dma_start3A_924 : memref<16x128xf32, #tpu.memory_space<hbm>>) target(%dma_start3A_922 : memref<16x128xf32, #tpu.memory_space<vmem>>) target_semaphore(%arg11 : memref<!tpu.dma_semaphore, #tpu.memory_space<semaphore_mem>>)
      } else {
      }
      %dma_wait3A_473 = arith.constant 4 : i32
      %dma_wait3A_474 = arith.constant 0 : i32
      %dma_wait3A_475 = arith.constant 0 : i32
      %dma_wait3A_476 = tpu.memref_slice %arg6[%dma_wait3A_473, %dma_wait3A_474, %dma_wait3A_475] : memref<16x16x128xf32, #tpu.memory_space<vmem>> -> memref<1x16x128xf32, #tpu.memory_space<vmem>>
      %dma_wait3A_477 = tpu.memref_squeeze %dma_wait3A_476 : memref<1x16x128xf32, #tpu.memory_space<vmem>> -> memref<16x128xf32, #tpu.memory_space<vmem>>
      %dma_wait3A_478 = arith.constant 0 : i32
      %dma_wait3A_479 = arith.constant 0 : i32
      %dma_wait3A_480 = tpu.memref_slice %arg3[%dma_wait3A_478, %dma_wait3A_479] : memref<16x1000000xf32, #tpu.memory_space<hbm>> -> memref<16x128xf32, #tpu.memory_space<hbm>>
      %dma_wait3A_481 = arith.constant 0 : i32
      %dma_wait3A_482 = arith.constant 0 : i32
      %dma_wait3A_483 = tpu.memref_slice %arg6[%dma_wait3A_473, %dma_wait3A_481, %dma_wait3A_482] : memref<16x16x128xf32, #tpu.memory_space<vmem>> -> memref<1x16x128xf32, #tpu.memory_space<vmem>>
      %dma_wait3A_484 = tpu.memref_squeeze %dma_wait3A_483 : memref<1x16x128xf32, #tpu.memory_space<vmem>> -> memref<16x128xf32, #tpu.memory_space<vmem>>
      %dma_wait3A_485 = arith.constant 0 : i32
      %dma_wait3A_486 = arith.constant 0 : i32
      %dma_wait3A_487 = tpu.memref_slice %arg3[%dma_wait3A_485, %dma_wait3A_486] : memref<16x1000000xf32, #tpu.memory_space<hbm>> -> memref<16x128xf32, #tpu.memory_space<hbm>>
      tpu.wait_dma2 semaphore(%arg12 : memref<!tpu.dma_semaphore, #tpu.memory_space<semaphore_mem>>) src(%dma_wait3A_487 : memref<16x128xf32, #tpu.memory_space<hbm>>) dst(%dma_wait3A_484 : memref<16x128xf32, #tpu.memory_space<vmem>>)
      %slice3A_488 = vector.extract_strided_slice %get3A_328 {offsets = [4], sizes = [1], strides = [1]} : vector<16xi32> to vector<1xi32>
      %squeeze3A_489 = vector.extract %slice3A_488[0] : i32 from vector<1xi32>
      %and3A_490 = arith.constant 127 : i32
      %and3A_491 = arith.andi %squeeze3A_489, %and3A_490 : i32
      %broadcast_in_dim3A_492 = vector.broadcast %and3A_491 : i32 to vector<16xi32>
      %gather3A_493 = arith.constant 4 : i32
      %gather3A_494 = arith.constant 0 : i32
      %gather3A_495 = arith.constant 0 : i32
      %gather3A_496 = tpu.memref_slice %arg6[%gather3A_493, %gather3A_494, %gather3A_495] : memref<16x16x128xf32, #tpu.memory_space<vmem>> -> memref<1x16x128xf32, #tpu.memory_space<vmem>>
      %gather3A_497 = tpu.memref_squeeze %gather3A_496 : memref<1x16x128xf32, #tpu.memory_space<vmem>> -> memref<16x128xf32, #tpu.memory_space<vmem>>
      %gather3A_498 = tpu.vector_load_idx %gather3A_497[%iota3A, %broadcast_in_dim3A_492] : memref<16x128xf32, #tpu.memory_space<vmem>>[vector<16xi32>, vector<16xi32>], vector<16xf32>,
      %mul3A_499 = arith.constant 16 : i32
      %mul3A_500 = arith.muli %scan3A_324, %mul3A_499 : i32
      %add3A_501 = arith.constant 4 : i32
      %add3A_502 = arith.addi %mul3A_500, %add3A_501 : i32
      %broadcast_in_dim3A_503 = vector.broadcast %add3A_502 : i32 to vector<16xi32>
      tpu.vector_store_idx %arg7[%iota3A, %broadcast_in_dim3A_503], %gather3A_498 : memref<16x512xf32, #tpu.memory_space<vmem>>[vector<16xi32>, vector<16xi32>], vector<16xf32>,
      %lt3A_504 = arith.constant 31 : i32
      %lt3A_505 = arith.cmpi slt, %scan3A_324, %lt3A_504 : i32
      %convert_element_type3A_506 = arith.extui %lt3A_505 : i1 to i32
      %cond3A_507 = arith.constant 0 : i32
      %cond3A_508 = arith.cmpi ne, %convert_element_type3A_506, %cond3A_507 : i32
      scf.if %cond3A_508 {
        %slice3A_905 = vector.extract_strided_slice %get3A_335 {offsets = [4], sizes = [1], strides = [1]} : vector<16xi32> to vector<1xi32>
        %squeeze3A_906 = vector.extract %slice3A_905[0] : i32 from vector<1xi32>
        %shift_right_arithmetic3A_907 = arith.constant 7 : i32
        %shift_right_arithmetic3A_908 = arith.shrsi %squeeze3A_906, %shift_right_arithmetic3A_907 : i32
        %mul3A_909 = arith.constant 128 : i32
        %mul3A_910 = arith.muli %shift_right_arithmetic3A_908, %mul3A_909 : i32
        %multiple_of3A_911 = tpu.assume_multiple %mul3A_910, 128 : i32
        %dma_start3A_912 = arith.constant 4 : i32
        %dma_start3A_913 = arith.constant 0 : i32
        %dma_start3A_914 = arith.constant 0 : i32
        %dma_start3A_915 = tpu.memref_slice %arg6[%dma_start3A_912, %dma_start3A_913, %dma_start3A_914] : memref<16x16x128xf32, #tpu.memory_space<vmem>> -> memref<1x16x128xf32, #tpu.memory_space<vmem>>
        %dma_start3A_916 = tpu.memref_squeeze %dma_start3A_915 : memref<1x16x128xf32, #tpu.memory_space<vmem>> -> memref<16x128xf32, #tpu.memory_space<vmem>>
        %dma_start3A_917 = arith.constant 0 : i32
        %dma_start3A_918 = tpu.memref_slice %arg3[%dma_start3A_917, %multiple_of3A_911] : memref<16x1000000xf32, #tpu.memory_space<hbm>> -> memref<16x128xf32, #tpu.memory_space<hbm>>
        %dma_start3A_919 = arith.constant 0 : i32
        %dma_start3A_920 = arith.constant 0 : i32
        %dma_start3A_921 = tpu.memref_slice %arg6[%dma_start3A_912, %dma_start3A_919, %dma_start3A_920] : memref<16x16x128xf32, #tpu.memory_space<vmem>> -> memref<1x16x128xf32, #tpu.memory_space<vmem>>
        %dma_start3A_922 = tpu.memref_squeeze %dma_start3A_921 : memref<1x16x128xf32, #tpu.memory_space<vmem>> -> memref<16x128xf32, #tpu.memory_space<vmem>>
        %dma_start3A_923 = arith.constant 0 : i32
        %dma_start3A_924 = tpu.memref_slice %arg3[%dma_start3A_923, %multiple_of3A_911] : memref<16x1000000xf32, #tpu.memory_space<hbm>> -> memref<16x128xf32, #tpu.memory_space<hbm>>
        tpu.enqueue_dma source(%dma_start3A_924 : memref<16x128xf32, #tpu.memory_space<hbm>>) target(%dma_start3A_922 : memref<16x128xf32, #tpu.memory_space<vmem>>) target_semaphore(%arg12 : memref<!tpu.dma_semaphore, #tpu.memory_space<semaphore_mem>>)
      } else {
      }
      %dma_wait3A_509 = arith.constant 5 : i32
      %dma_wait3A_510 = arith.constant 0 : i32
      %dma_wait3A_511 = arith.constant 0 : i32
      %dma_wait3A_512 = tpu.memref_slice %arg6[%dma_wait3A_509, %dma_wait3A_510, %dma_wait3A_511] : memref<16x16x128xf32, #tpu.memory_space<vmem>> -> memref<1x16x128xf32, #tpu.memory_space<vmem>>
      %dma_wait3A_513 = tpu.memref_squeeze %dma_wait3A_512 : memref<1x16x128xf32, #tpu.memory_space<vmem>> -> memref<16x128xf32, #tpu.memory_space<vmem>>
      %dma_wait3A_514 = arith.constant 0 : i32
      %dma_wait3A_515 = arith.constant 0 : i32
      %dma_wait3A_516 = tpu.memref_slice %arg3[%dma_wait3A_514, %dma_wait3A_515] : memref<16x1000000xf32, #tpu.memory_space<hbm>> -> memref<16x128xf32, #tpu.memory_space<hbm>>
      %dma_wait3A_517 = arith.constant 0 : i32
      %dma_wait3A_518 = arith.constant 0 : i32
      %dma_wait3A_519 = tpu.memref_slice %arg6[%dma_wait3A_509, %dma_wait3A_517, %dma_wait3A_518] : memref<16x16x128xf32, #tpu.memory_space<vmem>> -> memref<1x16x128xf32, #tpu.memory_space<vmem>>
      %dma_wait3A_520 = tpu.memref_squeeze %dma_wait3A_519 : memref<1x16x128xf32, #tpu.memory_space<vmem>> -> memref<16x128xf32, #tpu.memory_space<vmem>>
      %dma_wait3A_521 = arith.constant 0 : i32
      %dma_wait3A_522 = arith.constant 0 : i32
      %dma_wait3A_523 = tpu.memref_slice %arg3[%dma_wait3A_521, %dma_wait3A_522] : memref<16x1000000xf32, #tpu.memory_space<hbm>> -> memref<16x128xf32, #tpu.memory_space<hbm>>
      tpu.wait_dma2 semaphore(%arg13 : memref<!tpu.dma_semaphore, #tpu.memory_space<semaphore_mem>>) src(%dma_wait3A_523 : memref<16x128xf32, #tpu.memory_space<hbm>>) dst(%dma_wait3A_520 : memref<16x128xf32, #tpu.memory_space<vmem>>)
      %slice3A_524 = vector.extract_strided_slice %get3A_328 {offsets = [5], sizes = [1], strides = [1]} : vector<16xi32> to vector<1xi32>
      %squeeze3A_525 = vector.extract %slice3A_524[0] : i32 from vector<1xi32>
      %and3A_526 = arith.constant 127 : i32
      %and3A_527 = arith.andi %squeeze3A_525, %and3A_526 : i32
      %broadcast_in_dim3A_528 = vector.broadcast %and3A_527 : i32 to vector<16xi32>
      %gather3A_529 = arith.constant 5 : i32
      %gather3A_530 = arith.constant 0 : i32
      %gather3A_531 = arith.constant 0 : i32
      %gather3A_532 = tpu.memref_slice %arg6[%gather3A_529, %gather3A_530, %gather3A_531] : memref<16x16x128xf32, #tpu.memory_space<vmem>> -> memref<1x16x128xf32, #tpu.memory_space<vmem>>
      %gather3A_533 = tpu.memref_squeeze %gather3A_532 : memref<1x16x128xf32, #tpu.memory_space<vmem>> -> memref<16x128xf32, #tpu.memory_space<vmem>>
      %gather3A_534 = tpu.vector_load_idx %gather3A_533[%iota3A, %broadcast_in_dim3A_528] : memref<16x128xf32, #tpu.memory_space<vmem>>[vector<16xi32>, vector<16xi32>], vector<16xf32>,
      %mul3A_535 = arith.constant 16 : i32
      %mul3A_536 = arith.muli %scan3A_324, %mul3A_535 : i32
      %add3A_537 = arith.constant 5 : i32
      %add3A_538 = arith.addi %mul3A_536, %add3A_537 : i32
      %broadcast_in_dim3A_539 = vector.broadcast %add3A_538 : i32 to vector<16xi32>
      tpu.vector_store_idx %arg7[%iota3A, %broadcast_in_dim3A_539], %gather3A_534 : memref<16x512xf32, #tpu.memory_space<vmem>>[vector<16xi32>, vector<16xi32>], vector<16xf32>,
      %lt3A_540 = arith.constant 31 : i32
      %lt3A_541 = arith.cmpi slt, %scan3A_324, %lt3A_540 : i32
      %convert_element_type3A_542 = arith.extui %lt3A_541 : i1 to i32
      %cond3A_543 = arith.constant 0 : i32
      %cond3A_544 = arith.cmpi ne, %convert_element_type3A_542, %cond3A_543 : i32
      scf.if %cond3A_544 {
        %slice3A_905 = vector.extract_strided_slice %get3A_335 {offsets = [5], sizes = [1], strides = [1]} : vector<16xi32> to vector<1xi32>
        %squeeze3A_906 = vector.extract %slice3A_905[0] : i32 from vector<1xi32>
        %shift_right_arithmetic3A_907 = arith.constant 7 : i32
        %shift_right_arithmetic3A_908 = arith.shrsi %squeeze3A_906, %shift_right_arithmetic3A_907 : i32
        %mul3A_909 = arith.constant 128 : i32
        %mul3A_910 = arith.muli %shift_right_arithmetic3A_908, %mul3A_909 : i32
        %multiple_of3A_911 = tpu.assume_multiple %mul3A_910, 128 : i32
        %dma_start3A_912 = arith.constant 5 : i32
        %dma_start3A_913 = arith.constant 0 : i32
        %dma_start3A_914 = arith.constant 0 : i32
        %dma_start3A_915 = tpu.memref_slice %arg6[%dma_start3A_912, %dma_start3A_913, %dma_start3A_914] : memref<16x16x128xf32, #tpu.memory_space<vmem>> -> memref<1x16x128xf32, #tpu.memory_space<vmem>>
        %dma_start3A_916 = tpu.memref_squeeze %dma_start3A_915 : memref<1x16x128xf32, #tpu.memory_space<vmem>> -> memref<16x128xf32, #tpu.memory_space<vmem>>
        %dma_start3A_917 = arith.constant 0 : i32
        %dma_start3A_918 = tpu.memref_slice %arg3[%dma_start3A_917, %multiple_of3A_911] : memref<16x1000000xf32, #tpu.memory_space<hbm>> -> memref<16x128xf32, #tpu.memory_space<hbm>>
        %dma_start3A_919 = arith.constant 0 : i32
        %dma_start3A_920 = arith.constant 0 : i32
        %dma_start3A_921 = tpu.memref_slice %arg6[%dma_start3A_912, %dma_start3A_919, %dma_start3A_920] : memref<16x16x128xf32, #tpu.memory_space<vmem>> -> memref<1x16x128xf32, #tpu.memory_space<vmem>>
        %dma_start3A_922 = tpu.memref_squeeze %dma_start3A_921 : memref<1x16x128xf32, #tpu.memory_space<vmem>> -> memref<16x128xf32, #tpu.memory_space<vmem>>
        %dma_start3A_923 = arith.constant 0 : i32
        %dma_start3A_924 = tpu.memref_slice %arg3[%dma_start3A_923, %multiple_of3A_911] : memref<16x1000000xf32, #tpu.memory_space<hbm>> -> memref<16x128xf32, #tpu.memory_space<hbm>>
        tpu.enqueue_dma source(%dma_start3A_924 : memref<16x128xf32, #tpu.memory_space<hbm>>) target(%dma_start3A_922 : memref<16x128xf32, #tpu.memory_space<vmem>>) target_semaphore(%arg13 : memref<!tpu.dma_semaphore, #tpu.memory_space<semaphore_mem>>)
      } else {
      }
      %dma_wait3A_545 = arith.constant 6 : i32
      %dma_wait3A_546 = arith.constant 0 : i32
      %dma_wait3A_547 = arith.constant 0 : i32
      %dma_wait3A_548 = tpu.memref_slice %arg6[%dma_wait3A_545, %dma_wait3A_546, %dma_wait3A_547] : memref<16x16x128xf32, #tpu.memory_space<vmem>> -> memref<1x16x128xf32, #tpu.memory_space<vmem>>
      %dma_wait3A_549 = tpu.memref_squeeze %dma_wait3A_548 : memref<1x16x128xf32, #tpu.memory_space<vmem>> -> memref<16x128xf32, #tpu.memory_space<vmem>>
      %dma_wait3A_550 = arith.constant 0 : i32
      %dma_wait3A_551 = arith.constant 0 : i32
      %dma_wait3A_552 = tpu.memref_slice %arg3[%dma_wait3A_550, %dma_wait3A_551] : memref<16x1000000xf32, #tpu.memory_space<hbm>> -> memref<16x128xf32, #tpu.memory_space<hbm>>
      %dma_wait3A_553 = arith.constant 0 : i32
      %dma_wait3A_554 = arith.constant 0 : i32
      %dma_wait3A_555 = tpu.memref_slice %arg6[%dma_wait3A_545, %dma_wait3A_553, %dma_wait3A_554] : memref<16x16x128xf32, #tpu.memory_space<vmem>> -> memref<1x16x128xf32, #tpu.memory_space<vmem>>
      %dma_wait3A_556 = tpu.memref_squeeze %dma_wait3A_555 : memref<1x16x128xf32, #tpu.memory_space<vmem>> -> memref<16x128xf32, #tpu.memory_space<vmem>>
      %dma_wait3A_557 = arith.constant 0 : i32
      %dma_wait3A_558 = arith.constant 0 : i32
      %dma_wait3A_559 = tpu.memref_slice %arg3[%dma_wait3A_557, %dma_wait3A_558] : memref<16x1000000xf32, #tpu.memory_space<hbm>> -> memref<16x128xf32, #tpu.memory_space<hbm>>
      tpu.wait_dma2 semaphore(%arg14 : memref<!tpu.dma_semaphore, #tpu.memory_space<semaphore_mem>>) src(%dma_wait3A_559 : memref<16x128xf32, #tpu.memory_space<hbm>>) dst(%dma_wait3A_556 : memref<16x128xf32, #tpu.memory_space<vmem>>)
      %slice3A_560 = vector.extract_strided_slice %get3A_328 {offsets = [6], sizes = [1], strides = [1]} : vector<16xi32> to vector<1xi32>
      %squeeze3A_561 = vector.extract %slice3A_560[0] : i32 from vector<1xi32>
      %and3A_562 = arith.constant 127 : i32
      %and3A_563 = arith.andi %squeeze3A_561, %and3A_562 : i32
      %broadcast_in_dim3A_564 = vector.broadcast %and3A_563 : i32 to vector<16xi32>
      %gather3A_565 = arith.constant 6 : i32
      %gather3A_566 = arith.constant 0 : i32
      %gather3A_567 = arith.constant 0 : i32
      %gather3A_568 = tpu.memref_slice %arg6[%gather3A_565, %gather3A_566, %gather3A_567] : memref<16x16x128xf32, #tpu.memory_space<vmem>> -> memref<1x16x128xf32, #tpu.memory_space<vmem>>
      %gather3A_569 = tpu.memref_squeeze %gather3A_568 : memref<1x16x128xf32, #tpu.memory_space<vmem>> -> memref<16x128xf32, #tpu.memory_space<vmem>>
      %gather3A_570 = tpu.vector_load_idx %gather3A_569[%iota3A, %broadcast_in_dim3A_564] : memref<16x128xf32, #tpu.memory_space<vmem>>[vector<16xi32>, vector<16xi32>], vector<16xf32>,
      %mul3A_571 = arith.constant 16 : i32
      %mul3A_572 = arith.muli %scan3A_324, %mul3A_571 : i32
      %add3A_573 = arith.constant 6 : i32
      %add3A_574 = arith.addi %mul3A_572, %add3A_573 : i32
      %broadcast_in_dim3A_575 = vector.broadcast %add3A_574 : i32 to vector<16xi32>
      tpu.vector_store_idx %arg7[%iota3A, %broadcast_in_dim3A_575], %gather3A_570 : memref<16x512xf32, #tpu.memory_space<vmem>>[vector<16xi32>, vector<16xi32>], vector<16xf32>,
      %lt3A_576 = arith.constant 31 : i32
      %lt3A_577 = arith.cmpi slt, %scan3A_324, %lt3A_576 : i32
      %convert_element_type3A_578 = arith.extui %lt3A_577 : i1 to i32
      %cond3A_579 = arith.constant 0 : i32
      %cond3A_580 = arith.cmpi ne, %convert_element_type3A_578, %cond3A_579 : i32
      scf.if %cond3A_580 {
        %slice3A_905 = vector.extract_strided_slice %get3A_335 {offsets = [6], sizes = [1], strides = [1]} : vector<16xi32> to vector<1xi32>
        %squeeze3A_906 = vector.extract %slice3A_905[0] : i32 from vector<1xi32>
        %shift_right_arithmetic3A_907 = arith.constant 7 : i32
        %shift_right_arithmetic3A_908 = arith.shrsi %squeeze3A_906, %shift_right_arithmetic3A_907 : i32
        %mul3A_909 = arith.constant 128 : i32
        %mul3A_910 = arith.muli %shift_right_arithmetic3A_908, %mul3A_909 : i32
        %multiple_of3A_911 = tpu.assume_multiple %mul3A_910, 128 : i32
        %dma_start3A_912 = arith.constant 6 : i32
        %dma_start3A_913 = arith.constant 0 : i32
        %dma_start3A_914 = arith.constant 0 : i32
        %dma_start3A_915 = tpu.memref_slice %arg6[%dma_start3A_912, %dma_start3A_913, %dma_start3A_914] : memref<16x16x128xf32, #tpu.memory_space<vmem>> -> memref<1x16x128xf32, #tpu.memory_space<vmem>>
        %dma_start3A_916 = tpu.memref_squeeze %dma_start3A_915 : memref<1x16x128xf32, #tpu.memory_space<vmem>> -> memref<16x128xf32, #tpu.memory_space<vmem>>
        %dma_start3A_917 = arith.constant 0 : i32
        %dma_start3A_918 = tpu.memref_slice %arg3[%dma_start3A_917, %multiple_of3A_911] : memref<16x1000000xf32, #tpu.memory_space<hbm>> -> memref<16x128xf32, #tpu.memory_space<hbm>>
        %dma_start3A_919 = arith.constant 0 : i32
        %dma_start3A_920 = arith.constant 0 : i32
        %dma_start3A_921 = tpu.memref_slice %arg6[%dma_start3A_912, %dma_start3A_919, %dma_start3A_920] : memref<16x16x128xf32, #tpu.memory_space<vmem>> -> memref<1x16x128xf32, #tpu.memory_space<vmem>>
        %dma_start3A_922 = tpu.memref_squeeze %dma_start3A_921 : memref<1x16x128xf32, #tpu.memory_space<vmem>> -> memref<16x128xf32, #tpu.memory_space<vmem>>
        %dma_start3A_923 = arith.constant 0 : i32
        %dma_start3A_924 = tpu.memref_slice %arg3[%dma_start3A_923, %multiple_of3A_911] : memref<16x1000000xf32, #tpu.memory_space<hbm>> -> memref<16x128xf32, #tpu.memory_space<hbm>>
        tpu.enqueue_dma source(%dma_start3A_924 : memref<16x128xf32, #tpu.memory_space<hbm>>) target(%dma_start3A_922 : memref<16x128xf32, #tpu.memory_space<vmem>>) target_semaphore(%arg14 : memref<!tpu.dma_semaphore, #tpu.memory_space<semaphore_mem>>)
      } else {
      }
      %dma_wait3A_581 = arith.constant 7 : i32
      %dma_wait3A_582 = arith.constant 0 : i32
      %dma_wait3A_583 = arith.constant 0 : i32
      %dma_wait3A_584 = tpu.memref_slice %arg6[%dma_wait3A_581, %dma_wait3A_582, %dma_wait3A_583] : memref<16x16x128xf32, #tpu.memory_space<vmem>> -> memref<1x16x128xf32, #tpu.memory_space<vmem>>
      %dma_wait3A_585 = tpu.memref_squeeze %dma_wait3A_584 : memref<1x16x128xf32, #tpu.memory_space<vmem>> -> memref<16x128xf32, #tpu.memory_space<vmem>>
      %dma_wait3A_586 = arith.constant 0 : i32
      %dma_wait3A_587 = arith.constant 0 : i32
      %dma_wait3A_588 = tpu.memref_slice %arg3[%dma_wait3A_586, %dma_wait3A_587] : memref<16x1000000xf32, #tpu.memory_space<hbm>> -> memref<16x128xf32, #tpu.memory_space<hbm>>
      %dma_wait3A_589 = arith.constant 0 : i32
      %dma_wait3A_590 = arith.constant 0 : i32
      %dma_wait3A_591 = tpu.memref_slice %arg6[%dma_wait3A_581, %dma_wait3A_589, %dma_wait3A_590] : memref<16x16x128xf32, #tpu.memory_space<vmem>> -> memref<1x16x128xf32, #tpu.memory_space<vmem>>
      %dma_wait3A_592 = tpu.memref_squeeze %dma_wait3A_591 : memref<1x16x128xf32, #tpu.memory_space<vmem>> -> memref<16x128xf32, #tpu.memory_space<vmem>>
      %dma_wait3A_593 = arith.constant 0 : i32
      %dma_wait3A_594 = arith.constant 0 : i32
      %dma_wait3A_595 = tpu.memref_slice %arg3[%dma_wait3A_593, %dma_wait3A_594] : memref<16x1000000xf32, #tpu.memory_space<hbm>> -> memref<16x128xf32, #tpu.memory_space<hbm>>
      tpu.wait_dma2 semaphore(%arg15 : memref<!tpu.dma_semaphore, #tpu.memory_space<semaphore_mem>>) src(%dma_wait3A_595 : memref<16x128xf32, #tpu.memory_space<hbm>>) dst(%dma_wait3A_592 : memref<16x128xf32, #tpu.memory_space<vmem>>)
      %slice3A_596 = vector.extract_strided_slice %get3A_328 {offsets = [7], sizes = [1], strides = [1]} : vector<16xi32> to vector<1xi32>
      %squeeze3A_597 = vector.extract %slice3A_596[0] : i32 from vector<1xi32>
      %and3A_598 = arith.constant 127 : i32
      %and3A_599 = arith.andi %squeeze3A_597, %and3A_598 : i32
      %broadcast_in_dim3A_600 = vector.broadcast %and3A_599 : i32 to vector<16xi32>
      %gather3A_601 = arith.constant 7 : i32
      %gather3A_602 = arith.constant 0 : i32
      %gather3A_603 = arith.constant 0 : i32
      %gather3A_604 = tpu.memref_slice %arg6[%gather3A_601, %gather3A_602, %gather3A_603] : memref<16x16x128xf32, #tpu.memory_space<vmem>> -> memref<1x16x128xf32, #tpu.memory_space<vmem>>
      %gather3A_605 = tpu.memref_squeeze %gather3A_604 : memref<1x16x128xf32, #tpu.memory_space<vmem>> -> memref<16x128xf32, #tpu.memory_space<vmem>>
      %gather3A_606 = tpu.vector_load_idx %gather3A_605[%iota3A, %broadcast_in_dim3A_600] : memref<16x128xf32, #tpu.memory_space<vmem>>[vector<16xi32>, vector<16xi32>], vector<16xf32>,
      %mul3A_607 = arith.constant 16 : i32
      %mul3A_608 = arith.muli %scan3A_324, %mul3A_607 : i32
      %add3A_609 = arith.constant 7 : i32
      %add3A_610 = arith.addi %mul3A_608, %add3A_609 : i32
      %broadcast_in_dim3A_611 = vector.broadcast %add3A_610 : i32 to vector<16xi32>
      tpu.vector_store_idx %arg7[%iota3A, %broadcast_in_dim3A_611], %gather3A_606 : memref<16x512xf32, #tpu.memory_space<vmem>>[vector<16xi32>, vector<16xi32>], vector<16xf32>,
      %lt3A_612 = arith.constant 31 : i32
      %lt3A_613 = arith.cmpi slt, %scan3A_324, %lt3A_612 : i32
      %convert_element_type3A_614 = arith.extui %lt3A_613 : i1 to i32
      %cond3A_615 = arith.constant 0 : i32
      %cond3A_616 = arith.cmpi ne, %convert_element_type3A_614, %cond3A_615 : i32
      scf.if %cond3A_616 {
        %slice3A_905 = vector.extract_strided_slice %get3A_335 {offsets = [7], sizes = [1], strides = [1]} : vector<16xi32> to vector<1xi32>
        %squeeze3A_906 = vector.extract %slice3A_905[0] : i32 from vector<1xi32>
        %shift_right_arithmetic3A_907 = arith.constant 7 : i32
        %shift_right_arithmetic3A_908 = arith.shrsi %squeeze3A_906, %shift_right_arithmetic3A_907 : i32
        %mul3A_909 = arith.constant 128 : i32
        %mul3A_910 = arith.muli %shift_right_arithmetic3A_908, %mul3A_909 : i32
        %multiple_of3A_911 = tpu.assume_multiple %mul3A_910, 128 : i32
        %dma_start3A_912 = arith.constant 7 : i32
        %dma_start3A_913 = arith.constant 0 : i32
        %dma_start3A_914 = arith.constant 0 : i32
        %dma_start3A_915 = tpu.memref_slice %arg6[%dma_start3A_912, %dma_start3A_913, %dma_start3A_914] : memref<16x16x128xf32, #tpu.memory_space<vmem>> -> memref<1x16x128xf32, #tpu.memory_space<vmem>>
        %dma_start3A_916 = tpu.memref_squeeze %dma_start3A_915 : memref<1x16x128xf32, #tpu.memory_space<vmem>> -> memref<16x128xf32, #tpu.memory_space<vmem>>
        %dma_start3A_917 = arith.constant 0 : i32
        %dma_start3A_918 = tpu.memref_slice %arg3[%dma_start3A_917, %multiple_of3A_911] : memref<16x1000000xf32, #tpu.memory_space<hbm>> -> memref<16x128xf32, #tpu.memory_space<hbm>>
        %dma_start3A_919 = arith.constant 0 : i32
        %dma_start3A_920 = arith.constant 0 : i32
        %dma_start3A_921 = tpu.memref_slice %arg6[%dma_start3A_912, %dma_start3A_919, %dma_start3A_920] : memref<16x16x128xf32, #tpu.memory_space<vmem>> -> memref<1x16x128xf32, #tpu.memory_space<vmem>>
        %dma_start3A_922 = tpu.memref_squeeze %dma_start3A_921 : memref<1x16x128xf32, #tpu.memory_space<vmem>> -> memref<16x128xf32, #tpu.memory_space<vmem>>
        %dma_start3A_923 = arith.constant 0 : i32
        %dma_start3A_924 = tpu.memref_slice %arg3[%dma_start3A_923, %multiple_of3A_911] : memref<16x1000000xf32, #tpu.memory_space<hbm>> -> memref<16x128xf32, #tpu.memory_space<hbm>>
        tpu.enqueue_dma source(%dma_start3A_924 : memref<16x128xf32, #tpu.memory_space<hbm>>) target(%dma_start3A_922 : memref<16x128xf32, #tpu.memory_space<vmem>>) target_semaphore(%arg15 : memref<!tpu.dma_semaphore, #tpu.memory_space<semaphore_mem>>)
      } else {
      }
      %dma_wait3A_617 = arith.constant 8 : i32
      %dma_wait3A_618 = arith.constant 0 : i32
      %dma_wait3A_619 = arith.constant 0 : i32
      %dma_wait3A_620 = tpu.memref_slice %arg6[%dma_wait3A_617, %dma_wait3A_618, %dma_wait3A_619] : memref<16x16x128xf32, #tpu.memory_space<vmem>> -> memref<1x16x128xf32, #tpu.memory_space<vmem>>
      %dma_wait3A_621 = tpu.memref_squeeze %dma_wait3A_620 : memref<1x16x128xf32, #tpu.memory_space<vmem>> -> memref<16x128xf32, #tpu.memory_space<vmem>>
      %dma_wait3A_622 = arith.constant 0 : i32
      %dma_wait3A_623 = arith.constant 0 : i32
      %dma_wait3A_624 = tpu.memref_slice %arg3[%dma_wait3A_622, %dma_wait3A_623] : memref<16x1000000xf32, #tpu.memory_space<hbm>> -> memref<16x128xf32, #tpu.memory_space<hbm>>
      %dma_wait3A_625 = arith.constant 0 : i32
      %dma_wait3A_626 = arith.constant 0 : i32
      %dma_wait3A_627 = tpu.memref_slice %arg6[%dma_wait3A_617, %dma_wait3A_625, %dma_wait3A_626] : memref<16x16x128xf32, #tpu.memory_space<vmem>> -> memref<1x16x128xf32, #tpu.memory_space<vmem>>
      %dma_wait3A_628 = tpu.memref_squeeze %dma_wait3A_627 : memref<1x16x128xf32, #tpu.memory_space<vmem>> -> memref<16x128xf32, #tpu.memory_space<vmem>>
      %dma_wait3A_629 = arith.constant 0 : i32
      %dma_wait3A_630 = arith.constant 0 : i32
      %dma_wait3A_631 = tpu.memref_slice %arg3[%dma_wait3A_629, %dma_wait3A_630] : memref<16x1000000xf32, #tpu.memory_space<hbm>> -> memref<16x128xf32, #tpu.memory_space<hbm>>
      tpu.wait_dma2 semaphore(%arg16 : memref<!tpu.dma_semaphore, #tpu.memory_space<semaphore_mem>>) src(%dma_wait3A_631 : memref<16x128xf32, #tpu.memory_space<hbm>>) dst(%dma_wait3A_628 : memref<16x128xf32, #tpu.memory_space<vmem>>)
      %slice3A_632 = vector.extract_strided_slice %get3A_328 {offsets = [8], sizes = [1], strides = [1]} : vector<16xi32> to vector<1xi32>
      %squeeze3A_633 = vector.extract %slice3A_632[0] : i32 from vector<1xi32>
      %and3A_634 = arith.constant 127 : i32
      %and3A_635 = arith.andi %squeeze3A_633, %and3A_634 : i32
      %broadcast_in_dim3A_636 = vector.broadcast %and3A_635 : i32 to vector<16xi32>
      %gather3A_637 = arith.constant 8 : i32
      %gather3A_638 = arith.constant 0 : i32
      %gather3A_639 = arith.constant 0 : i32
      %gather3A_640 = tpu.memref_slice %arg6[%gather3A_637, %gather3A_638, %gather3A_639] : memref<16x16x128xf32, #tpu.memory_space<vmem>> -> memref<1x16x128xf32, #tpu.memory_space<vmem>>
      %gather3A_641 = tpu.memref_squeeze %gather3A_640 : memref<1x16x128xf32, #tpu.memory_space<vmem>> -> memref<16x128xf32, #tpu.memory_space<vmem>>
      %gather3A_642 = tpu.vector_load_idx %gather3A_641[%iota3A, %broadcast_in_dim3A_636] : memref<16x128xf32, #tpu.memory_space<vmem>>[vector<16xi32>, vector<16xi32>], vector<16xf32>,
      %mul3A_643 = arith.constant 16 : i32
      %mul3A_644 = arith.muli %scan3A_324, %mul3A_643 : i32
      %add3A_645 = arith.constant 8 : i32
      %add3A_646 = arith.addi %mul3A_644, %add3A_645 : i32
      %broadcast_in_dim3A_647 = vector.broadcast %add3A_646 : i32 to vector<16xi32>
      tpu.vector_store_idx %arg7[%iota3A, %broadcast_in_dim3A_647], %gather3A_642 : memref<16x512xf32, #tpu.memory_space<vmem>>[vector<16xi32>, vector<16xi32>], vector<16xf32>,
      %lt3A_648 = arith.constant 31 : i32
      %lt3A_649 = arith.cmpi slt, %scan3A_324, %lt3A_648 : i32
      %convert_element_type3A_650 = arith.extui %lt3A_649 : i1 to i32
      %cond3A_651 = arith.constant 0 : i32
      %cond3A_652 = arith.cmpi ne, %convert_element_type3A_650, %cond3A_651 : i32
      scf.if %cond3A_652 {
        %slice3A_905 = vector.extract_strided_slice %get3A_335 {offsets = [8], sizes = [1], strides = [1]} : vector<16xi32> to vector<1xi32>
        %squeeze3A_906 = vector.extract %slice3A_905[0] : i32 from vector<1xi32>
        %shift_right_arithmetic3A_907 = arith.constant 7 : i32
        %shift_right_arithmetic3A_908 = arith.shrsi %squeeze3A_906, %shift_right_arithmetic3A_907 : i32
        %mul3A_909 = arith.constant 128 : i32
        %mul3A_910 = arith.muli %shift_right_arithmetic3A_908, %mul3A_909 : i32
        %multiple_of3A_911 = tpu.assume_multiple %mul3A_910, 128 : i32
        %dma_start3A_912 = arith.constant 8 : i32
        %dma_start3A_913 = arith.constant 0 : i32
        %dma_start3A_914 = arith.constant 0 : i32
        %dma_start3A_915 = tpu.memref_slice %arg6[%dma_start3A_912, %dma_start3A_913, %dma_start3A_914] : memref<16x16x128xf32, #tpu.memory_space<vmem>> -> memref<1x16x128xf32, #tpu.memory_space<vmem>>
        %dma_start3A_916 = tpu.memref_squeeze %dma_start3A_915 : memref<1x16x128xf32, #tpu.memory_space<vmem>> -> memref<16x128xf32, #tpu.memory_space<vmem>>
        %dma_start3A_917 = arith.constant 0 : i32
        %dma_start3A_918 = tpu.memref_slice %arg3[%dma_start3A_917, %multiple_of3A_911] : memref<16x1000000xf32, #tpu.memory_space<hbm>> -> memref<16x128xf32, #tpu.memory_space<hbm>>
        %dma_start3A_919 = arith.constant 0 : i32
        %dma_start3A_920 = arith.constant 0 : i32
        %dma_start3A_921 = tpu.memref_slice %arg6[%dma_start3A_912, %dma_start3A_919, %dma_start3A_920] : memref<16x16x128xf32, #tpu.memory_space<vmem>> -> memref<1x16x128xf32, #tpu.memory_space<vmem>>
        %dma_start3A_922 = tpu.memref_squeeze %dma_start3A_921 : memref<1x16x128xf32, #tpu.memory_space<vmem>> -> memref<16x128xf32, #tpu.memory_space<vmem>>
        %dma_start3A_923 = arith.constant 0 : i32
        %dma_start3A_924 = tpu.memref_slice %arg3[%dma_start3A_923, %multiple_of3A_911] : memref<16x1000000xf32, #tpu.memory_space<hbm>> -> memref<16x128xf32, #tpu.memory_space<hbm>>
        tpu.enqueue_dma source(%dma_start3A_924 : memref<16x128xf32, #tpu.memory_space<hbm>>) target(%dma_start3A_922 : memref<16x128xf32, #tpu.memory_space<vmem>>) target_semaphore(%arg16 : memref<!tpu.dma_semaphore, #tpu.memory_space<semaphore_mem>>)
      } else {
      }
      %dma_wait3A_653 = arith.constant 9 : i32
      %dma_wait3A_654 = arith.constant 0 : i32
      %dma_wait3A_655 = arith.constant 0 : i32
      %dma_wait3A_656 = tpu.memref_slice %arg6[%dma_wait3A_653, %dma_wait3A_654, %dma_wait3A_655] : memref<16x16x128xf32, #tpu.memory_space<vmem>> -> memref<1x16x128xf32, #tpu.memory_space<vmem>>
      %dma_wait3A_657 = tpu.memref_squeeze %dma_wait3A_656 : memref<1x16x128xf32, #tpu.memory_space<vmem>> -> memref<16x128xf32, #tpu.memory_space<vmem>>
      %dma_wait3A_658 = arith.constant 0 : i32
      %dma_wait3A_659 = arith.constant 0 : i32
      %dma_wait3A_660 = tpu.memref_slice %arg3[%dma_wait3A_658, %dma_wait3A_659] : memref<16x1000000xf32, #tpu.memory_space<hbm>> -> memref<16x128xf32, #tpu.memory_space<hbm>>
      %dma_wait3A_661 = arith.constant 0 : i32
      %dma_wait3A_662 = arith.constant 0 : i32
      %dma_wait3A_663 = tpu.memref_slice %arg6[%dma_wait3A_653, %dma_wait3A_661, %dma_wait3A_662] : memref<16x16x128xf32, #tpu.memory_space<vmem>> -> memref<1x16x128xf32, #tpu.memory_space<vmem>>
      %dma_wait3A_664 = tpu.memref_squeeze %dma_wait3A_663 : memref<1x16x128xf32, #tpu.memory_space<vmem>> -> memref<16x128xf32, #tpu.memory_space<vmem>>
      %dma_wait3A_665 = arith.constant 0 : i32
      %dma_wait3A_666 = arith.constant 0 : i32
      %dma_wait3A_667 = tpu.memref_slice %arg3[%dma_wait3A_665, %dma_wait3A_666] : memref<16x1000000xf32, #tpu.memory_space<hbm>> -> memref<16x128xf32, #tpu.memory_space<hbm>>
      tpu.wait_dma2 semaphore(%arg17 : memref<!tpu.dma_semaphore, #tpu.memory_space<semaphore_mem>>) src(%dma_wait3A_667 : memref<16x128xf32, #tpu.memory_space<hbm>>) dst(%dma_wait3A_664 : memref<16x128xf32, #tpu.memory_space<vmem>>)
      %slice3A_668 = vector.extract_strided_slice %get3A_328 {offsets = [9], sizes = [1], strides = [1]} : vector<16xi32> to vector<1xi32>
      %squeeze3A_669 = vector.extract %slice3A_668[0] : i32 from vector<1xi32>
      %and3A_670 = arith.constant 127 : i32
      %and3A_671 = arith.andi %squeeze3A_669, %and3A_670 : i32
      %broadcast_in_dim3A_672 = vector.broadcast %and3A_671 : i32 to vector<16xi32>
      %gather3A_673 = arith.constant 9 : i32
      %gather3A_674 = arith.constant 0 : i32
      %gather3A_675 = arith.constant 0 : i32
      %gather3A_676 = tpu.memref_slice %arg6[%gather3A_673, %gather3A_674, %gather3A_675] : memref<16x16x128xf32, #tpu.memory_space<vmem>> -> memref<1x16x128xf32, #tpu.memory_space<vmem>>
      %gather3A_677 = tpu.memref_squeeze %gather3A_676 : memref<1x16x128xf32, #tpu.memory_space<vmem>> -> memref<16x128xf32, #tpu.memory_space<vmem>>
      %gather3A_678 = tpu.vector_load_idx %gather3A_677[%iota3A, %broadcast_in_dim3A_672] : memref<16x128xf32, #tpu.memory_space<vmem>>[vector<16xi32>, vector<16xi32>], vector<16xf32>,
      %mul3A_679 = arith.constant 16 : i32
      %mul3A_680 = arith.muli %scan3A_324, %mul3A_679 : i32
      %add3A_681 = arith.constant 9 : i32
      %add3A_682 = arith.addi %mul3A_680, %add3A_681 : i32
      %broadcast_in_dim3A_683 = vector.broadcast %add3A_682 : i32 to vector<16xi32>
      tpu.vector_store_idx %arg7[%iota3A, %broadcast_in_dim3A_683], %gather3A_678 : memref<16x512xf32, #tpu.memory_space<vmem>>[vector<16xi32>, vector<16xi32>], vector<16xf32>,
      %lt3A_684 = arith.constant 31 : i32
      %lt3A_685 = arith.cmpi slt, %scan3A_324, %lt3A_684 : i32
      %convert_element_type3A_686 = arith.extui %lt3A_685 : i1 to i32
      %cond3A_687 = arith.constant 0 : i32
      %cond3A_688 = arith.cmpi ne, %convert_element_type3A_686, %cond3A_687 : i32
      scf.if %cond3A_688 {
        %slice3A_905 = vector.extract_strided_slice %get3A_335 {offsets = [9], sizes = [1], strides = [1]} : vector<16xi32> to vector<1xi32>
        %squeeze3A_906 = vector.extract %slice3A_905[0] : i32 from vector<1xi32>
        %shift_right_arithmetic3A_907 = arith.constant 7 : i32
        %shift_right_arithmetic3A_908 = arith.shrsi %squeeze3A_906, %shift_right_arithmetic3A_907 : i32
        %mul3A_909 = arith.constant 128 : i32
        %mul3A_910 = arith.muli %shift_right_arithmetic3A_908, %mul3A_909 : i32
        %multiple_of3A_911 = tpu.assume_multiple %mul3A_910, 128 : i32
        %dma_start3A_912 = arith.constant 9 : i32
        %dma_start3A_913 = arith.constant 0 : i32
        %dma_start3A_914 = arith.constant 0 : i32
        %dma_start3A_915 = tpu.memref_slice %arg6[%dma_start3A_912, %dma_start3A_913, %dma_start3A_914] : memref<16x16x128xf32, #tpu.memory_space<vmem>> -> memref<1x16x128xf32, #tpu.memory_space<vmem>>
        %dma_start3A_916 = tpu.memref_squeeze %dma_start3A_915 : memref<1x16x128xf32, #tpu.memory_space<vmem>> -> memref<16x128xf32, #tpu.memory_space<vmem>>
        %dma_start3A_917 = arith.constant 0 : i32
        %dma_start3A_918 = tpu.memref_slice %arg3[%dma_start3A_917, %multiple_of3A_911] : memref<16x1000000xf32, #tpu.memory_space<hbm>> -> memref<16x128xf32, #tpu.memory_space<hbm>>
        %dma_start3A_919 = arith.constant 0 : i32
        %dma_start3A_920 = arith.constant 0 : i32
        %dma_start3A_921 = tpu.memref_slice %arg6[%dma_start3A_912, %dma_start3A_919, %dma_start3A_920] : memref<16x16x128xf32, #tpu.memory_space<vmem>> -> memref<1x16x128xf32, #tpu.memory_space<vmem>>
        %dma_start3A_922 = tpu.memref_squeeze %dma_start3A_921 : memref<1x16x128xf32, #tpu.memory_space<vmem>> -> memref<16x128xf32, #tpu.memory_space<vmem>>
        %dma_start3A_923 = arith.constant 0 : i32
        %dma_start3A_924 = tpu.memref_slice %arg3[%dma_start3A_923, %multiple_of3A_911] : memref<16x1000000xf32, #tpu.memory_space<hbm>> -> memref<16x128xf32, #tpu.memory_space<hbm>>
        tpu.enqueue_dma source(%dma_start3A_924 : memref<16x128xf32, #tpu.memory_space<hbm>>) target(%dma_start3A_922 : memref<16x128xf32, #tpu.memory_space<vmem>>) target_semaphore(%arg17 : memref<!tpu.dma_semaphore, #tpu.memory_space<semaphore_mem>>)
      } else {
      }
      %dma_wait3A_689 = arith.constant 10 : i32
      %dma_wait3A_690 = arith.constant 0 : i32
      %dma_wait3A_691 = arith.constant 0 : i32
      %dma_wait3A_692 = tpu.memref_slice %arg6[%dma_wait3A_689, %dma_wait3A_690, %dma_wait3A_691] : memref<16x16x128xf32, #tpu.memory_space<vmem>> -> memref<1x16x128xf32, #tpu.memory_space<vmem>>
      %dma_wait3A_693 = tpu.memref_squeeze %dma_wait3A_692 : memref<1x16x128xf32, #tpu.memory_space<vmem>> -> memref<16x128xf32, #tpu.memory_space<vmem>>
      %dma_wait3A_694 = arith.constant 0 : i32
      %dma_wait3A_695 = arith.constant 0 : i32
      %dma_wait3A_696 = tpu.memref_slice %arg3[%dma_wait3A_694, %dma_wait3A_695] : memref<16x1000000xf32, #tpu.memory_space<hbm>> -> memref<16x128xf32, #tpu.memory_space<hbm>>
      %dma_wait3A_697 = arith.constant 0 : i32
      %dma_wait3A_698 = arith.constant 0 : i32
      %dma_wait3A_699 = tpu.memref_slice %arg6[%dma_wait3A_689, %dma_wait3A_697, %dma_wait3A_698] : memref<16x16x128xf32, #tpu.memory_space<vmem>> -> memref<1x16x128xf32, #tpu.memory_space<vmem>>
      %dma_wait3A_700 = tpu.memref_squeeze %dma_wait3A_699 : memref<1x16x128xf32, #tpu.memory_space<vmem>> -> memref<16x128xf32, #tpu.memory_space<vmem>>
      %dma_wait3A_701 = arith.constant 0 : i32
      %dma_wait3A_702 = arith.constant 0 : i32
      %dma_wait3A_703 = tpu.memref_slice %arg3[%dma_wait3A_701, %dma_wait3A_702] : memref<16x1000000xf32, #tpu.memory_space<hbm>> -> memref<16x128xf32, #tpu.memory_space<hbm>>
      tpu.wait_dma2 semaphore(%arg18 : memref<!tpu.dma_semaphore, #tpu.memory_space<semaphore_mem>>) src(%dma_wait3A_703 : memref<16x128xf32, #tpu.memory_space<hbm>>) dst(%dma_wait3A_700 : memref<16x128xf32, #tpu.memory_space<vmem>>)
      %slice3A_704 = vector.extract_strided_slice %get3A_328 {offsets = [10], sizes = [1], strides = [1]} : vector<16xi32> to vector<1xi32>
      %squeeze3A_705 = vector.extract %slice3A_704[0] : i32 from vector<1xi32>
      %and3A_706 = arith.constant 127 : i32
      %and3A_707 = arith.andi %squeeze3A_705, %and3A_706 : i32
      %broadcast_in_dim3A_708 = vector.broadcast %and3A_707 : i32 to vector<16xi32>
      %gather3A_709 = arith.constant 10 : i32
      %gather3A_710 = arith.constant 0 : i32
      %gather3A_711 = arith.constant 0 : i32
      %gather3A_712 = tpu.memref_slice %arg6[%gather3A_709, %gather3A_710, %gather3A_711] : memref<16x16x128xf32, #tpu.memory_space<vmem>> -> memref<1x16x128xf32, #tpu.memory_space<vmem>>
      %gather3A_713 = tpu.memref_squeeze %gather3A_712 : memref<1x16x128xf32, #tpu.memory_space<vmem>> -> memref<16x128xf32, #tpu.memory_space<vmem>>
      %gather3A_714 = tpu.vector_load_idx %gather3A_713[%iota3A, %broadcast_in_dim3A_708] : memref<16x128xf32, #tpu.memory_space<vmem>>[vector<16xi32>, vector<16xi32>], vector<16xf32>,
      %mul3A_715 = arith.constant 16 : i32
      %mul3A_716 = arith.muli %scan3A_324, %mul3A_715 : i32
      %add3A_717 = arith.constant 10 : i32
      %add3A_718 = arith.addi %mul3A_716, %add3A_717 : i32
      %broadcast_in_dim3A_719 = vector.broadcast %add3A_718 : i32 to vector<16xi32>
      tpu.vector_store_idx %arg7[%iota3A, %broadcast_in_dim3A_719], %gather3A_714 : memref<16x512xf32, #tpu.memory_space<vmem>>[vector<16xi32>, vector<16xi32>], vector<16xf32>,
      %lt3A_720 = arith.constant 31 : i32
      %lt3A_721 = arith.cmpi slt, %scan3A_324, %lt3A_720 : i32
      %convert_element_type3A_722 = arith.extui %lt3A_721 : i1 to i32
      %cond3A_723 = arith.constant 0 : i32
      %cond3A_724 = arith.cmpi ne, %convert_element_type3A_722, %cond3A_723 : i32
      scf.if %cond3A_724 {
        %slice3A_905 = vector.extract_strided_slice %get3A_335 {offsets = [10], sizes = [1], strides = [1]} : vector<16xi32> to vector<1xi32>
        %squeeze3A_906 = vector.extract %slice3A_905[0] : i32 from vector<1xi32>
        %shift_right_arithmetic3A_907 = arith.constant 7 : i32
        %shift_right_arithmetic3A_908 = arith.shrsi %squeeze3A_906, %shift_right_arithmetic3A_907 : i32
        %mul3A_909 = arith.constant 128 : i32
        %mul3A_910 = arith.muli %shift_right_arithmetic3A_908, %mul3A_909 : i32
        %multiple_of3A_911 = tpu.assume_multiple %mul3A_910, 128 : i32
        %dma_start3A_912 = arith.constant 10 : i32
        %dma_start3A_913 = arith.constant 0 : i32
        %dma_start3A_914 = arith.constant 0 : i32
        %dma_start3A_915 = tpu.memref_slice %arg6[%dma_start3A_912, %dma_start3A_913, %dma_start3A_914] : memref<16x16x128xf32, #tpu.memory_space<vmem>> -> memref<1x16x128xf32, #tpu.memory_space<vmem>>
        %dma_start3A_916 = tpu.memref_squeeze %dma_start3A_915 : memref<1x16x128xf32, #tpu.memory_space<vmem>> -> memref<16x128xf32, #tpu.memory_space<vmem>>
        %dma_start3A_917 = arith.constant 0 : i32
        %dma_start3A_918 = tpu.memref_slice %arg3[%dma_start3A_917, %multiple_of3A_911] : memref<16x1000000xf32, #tpu.memory_space<hbm>> -> memref<16x128xf32, #tpu.memory_space<hbm>>
        %dma_start3A_919 = arith.constant 0 : i32
        %dma_start3A_920 = arith.constant 0 : i32
        %dma_start3A_921 = tpu.memref_slice %arg6[%dma_start3A_912, %dma_start3A_919, %dma_start3A_920] : memref<16x16x128xf32, #tpu.memory_space<vmem>> -> memref<1x16x128xf32, #tpu.memory_space<vmem>>
        %dma_start3A_922 = tpu.memref_squeeze %dma_start3A_921 : memref<1x16x128xf32, #tpu.memory_space<vmem>> -> memref<16x128xf32, #tpu.memory_space<vmem>>
        %dma_start3A_923 = arith.constant 0 : i32
        %dma_start3A_924 = tpu.memref_slice %arg3[%dma_start3A_923, %multiple_of3A_911] : memref<16x1000000xf32, #tpu.memory_space<hbm>> -> memref<16x128xf32, #tpu.memory_space<hbm>>
        tpu.enqueue_dma source(%dma_start3A_924 : memref<16x128xf32, #tpu.memory_space<hbm>>) target(%dma_start3A_922 : memref<16x128xf32, #tpu.memory_space<vmem>>) target_semaphore(%arg18 : memref<!tpu.dma_semaphore, #tpu.memory_space<semaphore_mem>>)
      } else {
      }
      %dma_wait3A_725 = arith.constant 11 : i32
      %dma_wait3A_726 = arith.constant 0 : i32
      %dma_wait3A_727 = arith.constant 0 : i32
      %dma_wait3A_728 = tpu.memref_slice %arg6[%dma_wait3A_725, %dma_wait3A_726, %dma_wait3A_727] : memref<16x16x128xf32, #tpu.memory_space<vmem>> -> memref<1x16x128xf32, #tpu.memory_space<vmem>>
      %dma_wait3A_729 = tpu.memref_squeeze %dma_wait3A_728 : memref<1x16x128xf32, #tpu.memory_space<vmem>> -> memref<16x128xf32, #tpu.memory_space<vmem>>
      %dma_wait3A_730 = arith.constant 0 : i32
      %dma_wait3A_731 = arith.constant 0 : i32
      %dma_wait3A_732 = tpu.memref_slice %arg3[%dma_wait3A_730, %dma_wait3A_731] : memref<16x1000000xf32, #tpu.memory_space<hbm>> -> memref<16x128xf32, #tpu.memory_space<hbm>>
      %dma_wait3A_733 = arith.constant 0 : i32
      %dma_wait3A_734 = arith.constant 0 : i32
      %dma_wait3A_735 = tpu.memref_slice %arg6[%dma_wait3A_725, %dma_wait3A_733, %dma_wait3A_734] : memref<16x16x128xf32, #tpu.memory_space<vmem>> -> memref<1x16x128xf32, #tpu.memory_space<vmem>>
      %dma_wait3A_736 = tpu.memref_squeeze %dma_wait3A_735 : memref<1x16x128xf32, #tpu.memory_space<vmem>> -> memref<16x128xf32, #tpu.memory_space<vmem>>
      %dma_wait3A_737 = arith.constant 0 : i32
      %dma_wait3A_738 = arith.constant 0 : i32
      %dma_wait3A_739 = tpu.memref_slice %arg3[%dma_wait3A_737, %dma_wait3A_738] : memref<16x1000000xf32, #tpu.memory_space<hbm>> -> memref<16x128xf32, #tpu.memory_space<hbm>>
      tpu.wait_dma2 semaphore(%arg19 : memref<!tpu.dma_semaphore, #tpu.memory_space<semaphore_mem>>) src(%dma_wait3A_739 : memref<16x128xf32, #tpu.memory_space<hbm>>) dst(%dma_wait3A_736 : memref<16x128xf32, #tpu.memory_space<vmem>>)
      %slice3A_740 = vector.extract_strided_slice %get3A_328 {offsets = [11], sizes = [1], strides = [1]} : vector<16xi32> to vector<1xi32>
      %squeeze3A_741 = vector.extract %slice3A_740[0] : i32 from vector<1xi32>
      %and3A_742 = arith.constant 127 : i32
      %and3A_743 = arith.andi %squeeze3A_741, %and3A_742 : i32
      %broadcast_in_dim3A_744 = vector.broadcast %and3A_743 : i32 to vector<16xi32>
      %gather3A_745 = arith.constant 11 : i32
      %gather3A_746 = arith.constant 0 : i32
      %gather3A_747 = arith.constant 0 : i32
      %gather3A_748 = tpu.memref_slice %arg6[%gather3A_745, %gather3A_746, %gather3A_747] : memref<16x16x128xf32, #tpu.memory_space<vmem>> -> memref<1x16x128xf32, #tpu.memory_space<vmem>>
      %gather3A_749 = tpu.memref_squeeze %gather3A_748 : memref<1x16x128xf32, #tpu.memory_space<vmem>> -> memref<16x128xf32, #tpu.memory_space<vmem>>
      %gather3A_750 = tpu.vector_load_idx %gather3A_749[%iota3A, %broadcast_in_dim3A_744] : memref<16x128xf32, #tpu.memory_space<vmem>>[vector<16xi32>, vector<16xi32>], vector<16xf32>,
      %mul3A_751 = arith.constant 16 : i32
      %mul3A_752 = arith.muli %scan3A_324, %mul3A_751 : i32
      %add3A_753 = arith.constant 11 : i32
      %add3A_754 = arith.addi %mul3A_752, %add3A_753 : i32
      %broadcast_in_dim3A_755 = vector.broadcast %add3A_754 : i32 to vector<16xi32>
      tpu.vector_store_idx %arg7[%iota3A, %broadcast_in_dim3A_755], %gather3A_750 : memref<16x512xf32, #tpu.memory_space<vmem>>[vector<16xi32>, vector<16xi32>], vector<16xf32>,
      %lt3A_756 = arith.constant 31 : i32
      %lt3A_757 = arith.cmpi slt, %scan3A_324, %lt3A_756 : i32
      %convert_element_type3A_758 = arith.extui %lt3A_757 : i1 to i32
      %cond3A_759 = arith.constant 0 : i32
      %cond3A_760 = arith.cmpi ne, %convert_element_type3A_758, %cond3A_759 : i32
      scf.if %cond3A_760 {
        %slice3A_905 = vector.extract_strided_slice %get3A_335 {offsets = [11], sizes = [1], strides = [1]} : vector<16xi32> to vector<1xi32>
        %squeeze3A_906 = vector.extract %slice3A_905[0] : i32 from vector<1xi32>
        %shift_right_arithmetic3A_907 = arith.constant 7 : i32
        %shift_right_arithmetic3A_908 = arith.shrsi %squeeze3A_906, %shift_right_arithmetic3A_907 : i32
        %mul3A_909 = arith.constant 128 : i32
        %mul3A_910 = arith.muli %shift_right_arithmetic3A_908, %mul3A_909 : i32
        %multiple_of3A_911 = tpu.assume_multiple %mul3A_910, 128 : i32
        %dma_start3A_912 = arith.constant 11 : i32
        %dma_start3A_913 = arith.constant 0 : i32
        %dma_start3A_914 = arith.constant 0 : i32
        %dma_start3A_915 = tpu.memref_slice %arg6[%dma_start3A_912, %dma_start3A_913, %dma_start3A_914] : memref<16x16x128xf32, #tpu.memory_space<vmem>> -> memref<1x16x128xf32, #tpu.memory_space<vmem>>
        %dma_start3A_916 = tpu.memref_squeeze %dma_start3A_915 : memref<1x16x128xf32, #tpu.memory_space<vmem>> -> memref<16x128xf32, #tpu.memory_space<vmem>>
        %dma_start3A_917 = arith.constant 0 : i32
        %dma_start3A_918 = tpu.memref_slice %arg3[%dma_start3A_917, %multiple_of3A_911] : memref<16x1000000xf32, #tpu.memory_space<hbm>> -> memref<16x128xf32, #tpu.memory_space<hbm>>
        %dma_start3A_919 = arith.constant 0 : i32
        %dma_start3A_920 = arith.constant 0 : i32
        %dma_start3A_921 = tpu.memref_slice %arg6[%dma_start3A_912, %dma_start3A_919, %dma_start3A_920] : memref<16x16x128xf32, #tpu.memory_space<vmem>> -> memref<1x16x128xf32, #tpu.memory_space<vmem>>
        %dma_start3A_922 = tpu.memref_squeeze %dma_start3A_921 : memref<1x16x128xf32, #tpu.memory_space<vmem>> -> memref<16x128xf32, #tpu.memory_space<vmem>>
        %dma_start3A_923 = arith.constant 0 : i32
        %dma_start3A_924 = tpu.memref_slice %arg3[%dma_start3A_923, %multiple_of3A_911] : memref<16x1000000xf32, #tpu.memory_space<hbm>> -> memref<16x128xf32, #tpu.memory_space<hbm>>
        tpu.enqueue_dma source(%dma_start3A_924 : memref<16x128xf32, #tpu.memory_space<hbm>>) target(%dma_start3A_922 : memref<16x128xf32, #tpu.memory_space<vmem>>) target_semaphore(%arg19 : memref<!tpu.dma_semaphore, #tpu.memory_space<semaphore_mem>>)
      } else {
      }
      %dma_wait3A_761 = arith.constant 12 : i32
      %dma_wait3A_762 = arith.constant 0 : i32
      %dma_wait3A_763 = arith.constant 0 : i32
      %dma_wait3A_764 = tpu.memref_slice %arg6[%dma_wait3A_761, %dma_wait3A_762, %dma_wait3A_763] : memref<16x16x128xf32, #tpu.memory_space<vmem>> -> memref<1x16x128xf32, #tpu.memory_space<vmem>>
      %dma_wait3A_765 = tpu.memref_squeeze %dma_wait3A_764 : memref<1x16x128xf32, #tpu.memory_space<vmem>> -> memref<16x128xf32, #tpu.memory_space<vmem>>
      %dma_wait3A_766 = arith.constant 0 : i32
      %dma_wait3A_767 = arith.constant 0 : i32
      %dma_wait3A_768 = tpu.memref_slice %arg3[%dma_wait3A_766, %dma_wait3A_767] : memref<16x1000000xf32, #tpu.memory_space<hbm>> -> memref<16x128xf32, #tpu.memory_space<hbm>>
      %dma_wait3A_769 = arith.constant 0 : i32
      %dma_wait3A_770 = arith.constant 0 : i32
      %dma_wait3A_771 = tpu.memref_slice %arg6[%dma_wait3A_761, %dma_wait3A_769, %dma_wait3A_770] : memref<16x16x128xf32, #tpu.memory_space<vmem>> -> memref<1x16x128xf32, #tpu.memory_space<vmem>>
      %dma_wait3A_772 = tpu.memref_squeeze %dma_wait3A_771 : memref<1x16x128xf32, #tpu.memory_space<vmem>> -> memref<16x128xf32, #tpu.memory_space<vmem>>
      %dma_wait3A_773 = arith.constant 0 : i32
      %dma_wait3A_774 = arith.constant 0 : i32
      %dma_wait3A_775 = tpu.memref_slice %arg3[%dma_wait3A_773, %dma_wait3A_774] : memref<16x1000000xf32, #tpu.memory_space<hbm>> -> memref<16x128xf32, #tpu.memory_space<hbm>>
      tpu.wait_dma2 semaphore(%arg20 : memref<!tpu.dma_semaphore, #tpu.memory_space<semaphore_mem>>) src(%dma_wait3A_775 : memref<16x128xf32, #tpu.memory_space<hbm>>) dst(%dma_wait3A_772 : memref<16x128xf32, #tpu.memory_space<vmem>>)
      %slice3A_776 = vector.extract_strided_slice %get3A_328 {offsets = [12], sizes = [1], strides = [1]} : vector<16xi32> to vector<1xi32>
      %squeeze3A_777 = vector.extract %slice3A_776[0] : i32 from vector<1xi32>
      %and3A_778 = arith.constant 127 : i32
      %and3A_779 = arith.andi %squeeze3A_777, %and3A_778 : i32
      %broadcast_in_dim3A_780 = vector.broadcast %and3A_779 : i32 to vector<16xi32>
      %gather3A_781 = arith.constant 12 : i32
      %gather3A_782 = arith.constant 0 : i32
      %gather3A_783 = arith.constant 0 : i32
      %gather3A_784 = tpu.memref_slice %arg6[%gather3A_781, %gather3A_782, %gather3A_783] : memref<16x16x128xf32, #tpu.memory_space<vmem>> -> memref<1x16x128xf32, #tpu.memory_space<vmem>>
      %gather3A_785 = tpu.memref_squeeze %gather3A_784 : memref<1x16x128xf32, #tpu.memory_space<vmem>> -> memref<16x128xf32, #tpu.memory_space<vmem>>
      %gather3A_786 = tpu.vector_load_idx %gather3A_785[%iota3A, %broadcast_in_dim3A_780] : memref<16x128xf32, #tpu.memory_space<vmem>>[vector<16xi32>, vector<16xi32>], vector<16xf32>,
      %mul3A_787 = arith.constant 16 : i32
      %mul3A_788 = arith.muli %scan3A_324, %mul3A_787 : i32
      %add3A_789 = arith.constant 12 : i32
      %add3A_790 = arith.addi %mul3A_788, %add3A_789 : i32
      %broadcast_in_dim3A_791 = vector.broadcast %add3A_790 : i32 to vector<16xi32>
      tpu.vector_store_idx %arg7[%iota3A, %broadcast_in_dim3A_791], %gather3A_786 : memref<16x512xf32, #tpu.memory_space<vmem>>[vector<16xi32>, vector<16xi32>], vector<16xf32>,
      %lt3A_792 = arith.constant 31 : i32
      %lt3A_793 = arith.cmpi slt, %scan3A_324, %lt3A_792 : i32
      %convert_element_type3A_794 = arith.extui %lt3A_793 : i1 to i32
      %cond3A_795 = arith.constant 0 : i32
      %cond3A_796 = arith.cmpi ne, %convert_element_type3A_794, %cond3A_795 : i32
      scf.if %cond3A_796 {
        %slice3A_905 = vector.extract_strided_slice %get3A_335 {offsets = [12], sizes = [1], strides = [1]} : vector<16xi32> to vector<1xi32>
        %squeeze3A_906 = vector.extract %slice3A_905[0] : i32 from vector<1xi32>
        %shift_right_arithmetic3A_907 = arith.constant 7 : i32
        %shift_right_arithmetic3A_908 = arith.shrsi %squeeze3A_906, %shift_right_arithmetic3A_907 : i32
        %mul3A_909 = arith.constant 128 : i32
        %mul3A_910 = arith.muli %shift_right_arithmetic3A_908, %mul3A_909 : i32
        %multiple_of3A_911 = tpu.assume_multiple %mul3A_910, 128 : i32
        %dma_start3A_912 = arith.constant 12 : i32
        %dma_start3A_913 = arith.constant 0 : i32
        %dma_start3A_914 = arith.constant 0 : i32
        %dma_start3A_915 = tpu.memref_slice %arg6[%dma_start3A_912, %dma_start3A_913, %dma_start3A_914] : memref<16x16x128xf32, #tpu.memory_space<vmem>> -> memref<1x16x128xf32, #tpu.memory_space<vmem>>
        %dma_start3A_916 = tpu.memref_squeeze %dma_start3A_915 : memref<1x16x128xf32, #tpu.memory_space<vmem>> -> memref<16x128xf32, #tpu.memory_space<vmem>>
        %dma_start3A_917 = arith.constant 0 : i32
        %dma_start3A_918 = tpu.memref_slice %arg3[%dma_start3A_917, %multiple_of3A_911] : memref<16x1000000xf32, #tpu.memory_space<hbm>> -> memref<16x128xf32, #tpu.memory_space<hbm>>
        %dma_start3A_919 = arith.constant 0 : i32
        %dma_start3A_920 = arith.constant 0 : i32
        %dma_start3A_921 = tpu.memref_slice %arg6[%dma_start3A_912, %dma_start3A_919, %dma_start3A_920] : memref<16x16x128xf32, #tpu.memory_space<vmem>> -> memref<1x16x128xf32, #tpu.memory_space<vmem>>
        %dma_start3A_922 = tpu.memref_squeeze %dma_start3A_921 : memref<1x16x128xf32, #tpu.memory_space<vmem>> -> memref<16x128xf32, #tpu.memory_space<vmem>>
        %dma_start3A_923 = arith.constant 0 : i32
        %dma_start3A_924 = tpu.memref_slice %arg3[%dma_start3A_923, %multiple_of3A_911] : memref<16x1000000xf32, #tpu.memory_space<hbm>> -> memref<16x128xf32, #tpu.memory_space<hbm>>
        tpu.enqueue_dma source(%dma_start3A_924 : memref<16x128xf32, #tpu.memory_space<hbm>>) target(%dma_start3A_922 : memref<16x128xf32, #tpu.memory_space<vmem>>) target_semaphore(%arg20 : memref<!tpu.dma_semaphore, #tpu.memory_space<semaphore_mem>>)
      } else {
      }
      %dma_wait3A_797 = arith.constant 13 : i32
      %dma_wait3A_798 = arith.constant 0 : i32
      %dma_wait3A_799 = arith.constant 0 : i32
      %dma_wait3A_800 = tpu.memref_slice %arg6[%dma_wait3A_797, %dma_wait3A_798, %dma_wait3A_799] : memref<16x16x128xf32, #tpu.memory_space<vmem>> -> memref<1x16x128xf32, #tpu.memory_space<vmem>>
      %dma_wait3A_801 = tpu.memref_squeeze %dma_wait3A_800 : memref<1x16x128xf32, #tpu.memory_space<vmem>> -> memref<16x128xf32, #tpu.memory_space<vmem>>
      %dma_wait3A_802 = arith.constant 0 : i32
      %dma_wait3A_803 = arith.constant 0 : i32
      %dma_wait3A_804 = tpu.memref_slice %arg3[%dma_wait3A_802, %dma_wait3A_803] : memref<16x1000000xf32, #tpu.memory_space<hbm>> -> memref<16x128xf32, #tpu.memory_space<hbm>>
      %dma_wait3A_805 = arith.constant 0 : i32
      %dma_wait3A_806 = arith.constant 0 : i32
      %dma_wait3A_807 = tpu.memref_slice %arg6[%dma_wait3A_797, %dma_wait3A_805, %dma_wait3A_806] : memref<16x16x128xf32, #tpu.memory_space<vmem>> -> memref<1x16x128xf32, #tpu.memory_space<vmem>>
      %dma_wait3A_808 = tpu.memref_squeeze %dma_wait3A_807 : memref<1x16x128xf32, #tpu.memory_space<vmem>> -> memref<16x128xf32, #tpu.memory_space<vmem>>
      %dma_wait3A_809 = arith.constant 0 : i32
      %dma_wait3A_810 = arith.constant 0 : i32
      %dma_wait3A_811 = tpu.memref_slice %arg3[%dma_wait3A_809, %dma_wait3A_810] : memref<16x1000000xf32, #tpu.memory_space<hbm>> -> memref<16x128xf32, #tpu.memory_space<hbm>>
      tpu.wait_dma2 semaphore(%arg21 : memref<!tpu.dma_semaphore, #tpu.memory_space<semaphore_mem>>) src(%dma_wait3A_811 : memref<16x128xf32, #tpu.memory_space<hbm>>) dst(%dma_wait3A_808 : memref<16x128xf32, #tpu.memory_space<vmem>>)
      %slice3A_812 = vector.extract_strided_slice %get3A_328 {offsets = [13], sizes = [1], strides = [1]} : vector<16xi32> to vector<1xi32>
      %squeeze3A_813 = vector.extract %slice3A_812[0] : i32 from vector<1xi32>
      %and3A_814 = arith.constant 127 : i32
      %and3A_815 = arith.andi %squeeze3A_813, %and3A_814 : i32
      %broadcast_in_dim3A_816 = vector.broadcast %and3A_815 : i32 to vector<16xi32>
      %gather3A_817 = arith.constant 13 : i32
      %gather3A_818 = arith.constant 0 : i32
      %gather3A_819 = arith.constant 0 : i32
      %gather3A_820 = tpu.memref_slice %arg6[%gather3A_817, %gather3A_818, %gather3A_819] : memref<16x16x128xf32, #tpu.memory_space<vmem>> -> memref<1x16x128xf32, #tpu.memory_space<vmem>>
      %gather3A_821 = tpu.memref_squeeze %gather3A_820 : memref<1x16x128xf32, #tpu.memory_space<vmem>> -> memref<16x128xf32, #tpu.memory_space<vmem>>
      %gather3A_822 = tpu.vector_load_idx %gather3A_821[%iota3A, %broadcast_in_dim3A_816] : memref<16x128xf32, #tpu.memory_space<vmem>>[vector<16xi32>, vector<16xi32>], vector<16xf32>,
      %mul3A_823 = arith.constant 16 : i32
      %mul3A_824 = arith.muli %scan3A_324, %mul3A_823 : i32
      %add3A_825 = arith.constant 13 : i32
      %add3A_826 = arith.addi %mul3A_824, %add3A_825 : i32
      %broadcast_in_dim3A_827 = vector.broadcast %add3A_826 : i32 to vector<16xi32>
      tpu.vector_store_idx %arg7[%iota3A, %broadcast_in_dim3A_827], %gather3A_822 : memref<16x512xf32, #tpu.memory_space<vmem>>[vector<16xi32>, vector<16xi32>], vector<16xf32>,
      %lt3A_828 = arith.constant 31 : i32
      %lt3A_829 = arith.cmpi slt, %scan3A_324, %lt3A_828 : i32
      %convert_element_type3A_830 = arith.extui %lt3A_829 : i1 to i32
      %cond3A_831 = arith.constant 0 : i32
      %cond3A_832 = arith.cmpi ne, %convert_element_type3A_830, %cond3A_831 : i32
      scf.if %cond3A_832 {
        %slice3A_905 = vector.extract_strided_slice %get3A_335 {offsets = [13], sizes = [1], strides = [1]} : vector<16xi32> to vector<1xi32>
        %squeeze3A_906 = vector.extract %slice3A_905[0] : i32 from vector<1xi32>
        %shift_right_arithmetic3A_907 = arith.constant 7 : i32
        %shift_right_arithmetic3A_908 = arith.shrsi %squeeze3A_906, %shift_right_arithmetic3A_907 : i32
        %mul3A_909 = arith.constant 128 : i32
        %mul3A_910 = arith.muli %shift_right_arithmetic3A_908, %mul3A_909 : i32
        %multiple_of3A_911 = tpu.assume_multiple %mul3A_910, 128 : i32
        %dma_start3A_912 = arith.constant 13 : i32
        %dma_start3A_913 = arith.constant 0 : i32
        %dma_start3A_914 = arith.constant 0 : i32
        %dma_start3A_915 = tpu.memref_slice %arg6[%dma_start3A_912, %dma_start3A_913, %dma_start3A_914] : memref<16x16x128xf32, #tpu.memory_space<vmem>> -> memref<1x16x128xf32, #tpu.memory_space<vmem>>
        %dma_start3A_916 = tpu.memref_squeeze %dma_start3A_915 : memref<1x16x128xf32, #tpu.memory_space<vmem>> -> memref<16x128xf32, #tpu.memory_space<vmem>>
        %dma_start3A_917 = arith.constant 0 : i32
        %dma_start3A_918 = tpu.memref_slice %arg3[%dma_start3A_917, %multiple_of3A_911] : memref<16x1000000xf32, #tpu.memory_space<hbm>> -> memref<16x128xf32, #tpu.memory_space<hbm>>
        %dma_start3A_919 = arith.constant 0 : i32
        %dma_start3A_920 = arith.constant 0 : i32
        %dma_start3A_921 = tpu.memref_slice %arg6[%dma_start3A_912, %dma_start3A_919, %dma_start3A_920] : memref<16x16x128xf32, #tpu.memory_space<vmem>> -> memref<1x16x128xf32, #tpu.memory_space<vmem>>
        %dma_start3A_922 = tpu.memref_squeeze %dma_start3A_921 : memref<1x16x128xf32, #tpu.memory_space<vmem>> -> memref<16x128xf32, #tpu.memory_space<vmem>>
        %dma_start3A_923 = arith.constant 0 : i32
        %dma_start3A_924 = tpu.memref_slice %arg3[%dma_start3A_923, %multiple_of3A_911] : memref<16x1000000xf32, #tpu.memory_space<hbm>> -> memref<16x128xf32, #tpu.memory_space<hbm>>
        tpu.enqueue_dma source(%dma_start3A_924 : memref<16x128xf32, #tpu.memory_space<hbm>>) target(%dma_start3A_922 : memref<16x128xf32, #tpu.memory_space<vmem>>) target_semaphore(%arg21 : memref<!tpu.dma_semaphore, #tpu.memory_space<semaphore_mem>>)
      } else {
      }
      %dma_wait3A_833 = arith.constant 14 : i32
      %dma_wait3A_834 = arith.constant 0 : i32
      %dma_wait3A_835 = arith.constant 0 : i32
      %dma_wait3A_836 = tpu.memref_slice %arg6[%dma_wait3A_833, %dma_wait3A_834, %dma_wait3A_835] : memref<16x16x128xf32, #tpu.memory_space<vmem>> -> memref<1x16x128xf32, #tpu.memory_space<vmem>>
      %dma_wait3A_837 = tpu.memref_squeeze %dma_wait3A_836 : memref<1x16x128xf32, #tpu.memory_space<vmem>> -> memref<16x128xf32, #tpu.memory_space<vmem>>
      %dma_wait3A_838 = arith.constant 0 : i32
      %dma_wait3A_839 = arith.constant 0 : i32
      %dma_wait3A_840 = tpu.memref_slice %arg3[%dma_wait3A_838, %dma_wait3A_839] : memref<16x1000000xf32, #tpu.memory_space<hbm>> -> memref<16x128xf32, #tpu.memory_space<hbm>>
      %dma_wait3A_841 = arith.constant 0 : i32
      %dma_wait3A_842 = arith.constant 0 : i32
      %dma_wait3A_843 = tpu.memref_slice %arg6[%dma_wait3A_833, %dma_wait3A_841, %dma_wait3A_842] : memref<16x16x128xf32, #tpu.memory_space<vmem>> -> memref<1x16x128xf32, #tpu.memory_space<vmem>>
      %dma_wait3A_844 = tpu.memref_squeeze %dma_wait3A_843 : memref<1x16x128xf32, #tpu.memory_space<vmem>> -> memref<16x128xf32, #tpu.memory_space<vmem>>
      %dma_wait3A_845 = arith.constant 0 : i32
      %dma_wait3A_846 = arith.constant 0 : i32
      %dma_wait3A_847 = tpu.memref_slice %arg3[%dma_wait3A_845, %dma_wait3A_846] : memref<16x1000000xf32, #tpu.memory_space<hbm>> -> memref<16x128xf32, #tpu.memory_space<hbm>>
      tpu.wait_dma2 semaphore(%arg22 : memref<!tpu.dma_semaphore, #tpu.memory_space<semaphore_mem>>) src(%dma_wait3A_847 : memref<16x128xf32, #tpu.memory_space<hbm>>) dst(%dma_wait3A_844 : memref<16x128xf32, #tpu.memory_space<vmem>>)
      %slice3A_848 = vector.extract_strided_slice %get3A_328 {offsets = [14], sizes = [1], strides = [1]} : vector<16xi32> to vector<1xi32>
      %squeeze3A_849 = vector.extract %slice3A_848[0] : i32 from vector<1xi32>
      %and3A_850 = arith.constant 127 : i32
      %and3A_851 = arith.andi %squeeze3A_849, %and3A_850 : i32
      %broadcast_in_dim3A_852 = vector.broadcast %and3A_851 : i32 to vector<16xi32>
      %gather3A_853 = arith.constant 14 : i32
      %gather3A_854 = arith.constant 0 : i32
      %gather3A_855 = arith.constant 0 : i32
      %gather3A_856 = tpu.memref_slice %arg6[%gather3A_853, %gather3A_854, %gather3A_855] : memref<16x16x128xf32, #tpu.memory_space<vmem>> -> memref<1x16x128xf32, #tpu.memory_space<vmem>>
      %gather3A_857 = tpu.memref_squeeze %gather3A_856 : memref<1x16x128xf32, #tpu.memory_space<vmem>> -> memref<16x128xf32, #tpu.memory_space<vmem>>
      %gather3A_858 = tpu.vector_load_idx %gather3A_857[%iota3A, %broadcast_in_dim3A_852] : memref<16x128xf32, #tpu.memory_space<vmem>>[vector<16xi32>, vector<16xi32>], vector<16xf32>,
      %mul3A_859 = arith.constant 16 : i32
      %mul3A_860 = arith.muli %scan3A_324, %mul3A_859 : i32
      %add3A_861 = arith.constant 14 : i32
      %add3A_862 = arith.addi %mul3A_860, %add3A_861 : i32
      %broadcast_in_dim3A_863 = vector.broadcast %add3A_862 : i32 to vector<16xi32>
      tpu.vector_store_idx %arg7[%iota3A, %broadcast_in_dim3A_863], %gather3A_858 : memref<16x512xf32, #tpu.memory_space<vmem>>[vector<16xi32>, vector<16xi32>], vector<16xf32>,
      %lt3A_864 = arith.constant 31 : i32
      %lt3A_865 = arith.cmpi slt, %scan3A_324, %lt3A_864 : i32
      %convert_element_type3A_866 = arith.extui %lt3A_865 : i1 to i32
      %cond3A_867 = arith.constant 0 : i32
      %cond3A_868 = arith.cmpi ne, %convert_element_type3A_866, %cond3A_867 : i32
      scf.if %cond3A_868 {
        %slice3A_905 = vector.extract_strided_slice %get3A_335 {offsets = [14], sizes = [1], strides = [1]} : vector<16xi32> to vector<1xi32>
        %squeeze3A_906 = vector.extract %slice3A_905[0] : i32 from vector<1xi32>
        %shift_right_arithmetic3A_907 = arith.constant 7 : i32
        %shift_right_arithmetic3A_908 = arith.shrsi %squeeze3A_906, %shift_right_arithmetic3A_907 : i32
        %mul3A_909 = arith.constant 128 : i32
        %mul3A_910 = arith.muli %shift_right_arithmetic3A_908, %mul3A_909 : i32
        %multiple_of3A_911 = tpu.assume_multiple %mul3A_910, 128 : i32
        %dma_start3A_912 = arith.constant 14 : i32
        %dma_start3A_913 = arith.constant 0 : i32
        %dma_start3A_914 = arith.constant 0 : i32
        %dma_start3A_915 = tpu.memref_slice %arg6[%dma_start3A_912, %dma_start3A_913, %dma_start3A_914] : memref<16x16x128xf32, #tpu.memory_space<vmem>> -> memref<1x16x128xf32, #tpu.memory_space<vmem>>
        %dma_start3A_916 = tpu.memref_squeeze %dma_start3A_915 : memref<1x16x128xf32, #tpu.memory_space<vmem>> -> memref<16x128xf32, #tpu.memory_space<vmem>>
        %dma_start3A_917 = arith.constant 0 : i32
        %dma_start3A_918 = tpu.memref_slice %arg3[%dma_start3A_917, %multiple_of3A_911] : memref<16x1000000xf32, #tpu.memory_space<hbm>> -> memref<16x128xf32, #tpu.memory_space<hbm>>
        %dma_start3A_919 = arith.constant 0 : i32
        %dma_start3A_920 = arith.constant 0 : i32
        %dma_start3A_921 = tpu.memref_slice %arg6[%dma_start3A_912, %dma_start3A_919, %dma_start3A_920] : memref<16x16x128xf32, #tpu.memory_space<vmem>> -> memref<1x16x128xf32, #tpu.memory_space<vmem>>
        %dma_start3A_922 = tpu.memref_squeeze %dma_start3A_921 : memref<1x16x128xf32, #tpu.memory_space<vmem>> -> memref<16x128xf32, #tpu.memory_space<vmem>>
        %dma_start3A_923 = arith.constant 0 : i32
        %dma_start3A_924 = tpu.memref_slice %arg3[%dma_start3A_923, %multiple_of3A_911] : memref<16x1000000xf32, #tpu.memory_space<hbm>> -> memref<16x128xf32, #tpu.memory_space<hbm>>
        tpu.enqueue_dma source(%dma_start3A_924 : memref<16x128xf32, #tpu.memory_space<hbm>>) target(%dma_start3A_922 : memref<16x128xf32, #tpu.memory_space<vmem>>) target_semaphore(%arg22 : memref<!tpu.dma_semaphore, #tpu.memory_space<semaphore_mem>>)
      } else {
      }
      %dma_wait3A_869 = arith.constant 15 : i32
      %dma_wait3A_870 = arith.constant 0 : i32
      %dma_wait3A_871 = arith.constant 0 : i32
      %dma_wait3A_872 = tpu.memref_slice %arg6[%dma_wait3A_869, %dma_wait3A_870, %dma_wait3A_871] : memref<16x16x128xf32, #tpu.memory_space<vmem>> -> memref<1x16x128xf32, #tpu.memory_space<vmem>>
      %dma_wait3A_873 = tpu.memref_squeeze %dma_wait3A_872 : memref<1x16x128xf32, #tpu.memory_space<vmem>> -> memref<16x128xf32, #tpu.memory_space<vmem>>
      %dma_wait3A_874 = arith.constant 0 : i32
      %dma_wait3A_875 = arith.constant 0 : i32
      %dma_wait3A_876 = tpu.memref_slice %arg3[%dma_wait3A_874, %dma_wait3A_875] : memref<16x1000000xf32, #tpu.memory_space<hbm>> -> memref<16x128xf32, #tpu.memory_space<hbm>>
      %dma_wait3A_877 = arith.constant 0 : i32
      %dma_wait3A_878 = arith.constant 0 : i32
      %dma_wait3A_879 = tpu.memref_slice %arg6[%dma_wait3A_869, %dma_wait3A_877, %dma_wait3A_878] : memref<16x16x128xf32, #tpu.memory_space<vmem>> -> memref<1x16x128xf32, #tpu.memory_space<vmem>>
      %dma_wait3A_880 = tpu.memref_squeeze %dma_wait3A_879 : memref<1x16x128xf32, #tpu.memory_space<vmem>> -> memref<16x128xf32, #tpu.memory_space<vmem>>
      %dma_wait3A_881 = arith.constant 0 : i32
      %dma_wait3A_882 = arith.constant 0 : i32
      %dma_wait3A_883 = tpu.memref_slice %arg3[%dma_wait3A_881, %dma_wait3A_882] : memref<16x1000000xf32, #tpu.memory_space<hbm>> -> memref<16x128xf32, #tpu.memory_space<hbm>>
      tpu.wait_dma2 semaphore(%arg23 : memref<!tpu.dma_semaphore, #tpu.memory_space<semaphore_mem>>) src(%dma_wait3A_883 : memref<16x128xf32, #tpu.memory_space<hbm>>) dst(%dma_wait3A_880 : memref<16x128xf32, #tpu.memory_space<vmem>>)
      %slice3A_884 = vector.extract_strided_slice %get3A_328 {offsets = [15], sizes = [1], strides = [1]} : vector<16xi32> to vector<1xi32>
      %squeeze3A_885 = vector.extract %slice3A_884[0] : i32 from vector<1xi32>
      %and3A_886 = arith.constant 127 : i32
      %and3A_887 = arith.andi %squeeze3A_885, %and3A_886 : i32
      %broadcast_in_dim3A_888 = vector.broadcast %and3A_887 : i32 to vector<16xi32>
      %gather3A_889 = arith.constant 15 : i32
      %gather3A_890 = arith.constant 0 : i32
      %gather3A_891 = arith.constant 0 : i32
      %gather3A_892 = tpu.memref_slice %arg6[%gather3A_889, %gather3A_890, %gather3A_891] : memref<16x16x128xf32, #tpu.memory_space<vmem>> -> memref<1x16x128xf32, #tpu.memory_space<vmem>>
      %gather3A_893 = tpu.memref_squeeze %gather3A_892 : memref<1x16x128xf32, #tpu.memory_space<vmem>> -> memref<16x128xf32, #tpu.memory_space<vmem>>
      %gather3A_894 = tpu.vector_load_idx %gather3A_893[%iota3A, %broadcast_in_dim3A_888] : memref<16x128xf32, #tpu.memory_space<vmem>>[vector<16xi32>, vector<16xi32>], vector<16xf32>,
      %mul3A_895 = arith.constant 16 : i32
      %mul3A_896 = arith.muli %scan3A_324, %mul3A_895 : i32
      %add3A_897 = arith.constant 15 : i32
      %add3A_898 = arith.addi %mul3A_896, %add3A_897 : i32
      %broadcast_in_dim3A_899 = vector.broadcast %add3A_898 : i32 to vector<16xi32>
      tpu.vector_store_idx %arg7[%iota3A, %broadcast_in_dim3A_899], %gather3A_894 : memref<16x512xf32, #tpu.memory_space<vmem>>[vector<16xi32>, vector<16xi32>], vector<16xf32>,
      %lt3A_900 = arith.constant 31 : i32
      %lt3A_901 = arith.cmpi slt, %scan3A_324, %lt3A_900 : i32
      %convert_element_type3A_902 = arith.extui %lt3A_901 : i1 to i32
      %cond3A_903 = arith.constant 0 : i32
      %cond3A_904 = arith.cmpi ne, %convert_element_type3A_902, %cond3A_903 : i32
      scf.if %cond3A_904 {
        %slice3A_905 = vector.extract_strided_slice %get3A_335 {offsets = [15], sizes = [1], strides = [1]} : vector<16xi32> to vector<1xi32>
        %squeeze3A_906 = vector.extract %slice3A_905[0] : i32 from vector<1xi32>
        %shift_right_arithmetic3A_907 = arith.constant 7 : i32
        %shift_right_arithmetic3A_908 = arith.shrsi %squeeze3A_906, %shift_right_arithmetic3A_907 : i32
        %mul3A_909 = arith.constant 128 : i32
        %mul3A_910 = arith.muli %shift_right_arithmetic3A_908, %mul3A_909 : i32
        %multiple_of3A_911 = tpu.assume_multiple %mul3A_910, 128 : i32
        %dma_start3A_912 = arith.constant 15 : i32
        %dma_start3A_913 = arith.constant 0 : i32
        %dma_start3A_914 = arith.constant 0 : i32
        %dma_start3A_915 = tpu.memref_slice %arg6[%dma_start3A_912, %dma_start3A_913, %dma_start3A_914] : memref<16x16x128xf32, #tpu.memory_space<vmem>> -> memref<1x16x128xf32, #tpu.memory_space<vmem>>
        %dma_start3A_916 = tpu.memref_squeeze %dma_start3A_915 : memref<1x16x128xf32, #tpu.memory_space<vmem>> -> memref<16x128xf32, #tpu.memory_space<vmem>>
        %dma_start3A_917 = arith.constant 0 : i32
        %dma_start3A_918 = tpu.memref_slice %arg3[%dma_start3A_917, %multiple_of3A_911] : memref<16x1000000xf32, #tpu.memory_space<hbm>> -> memref<16x128xf32, #tpu.memory_space<hbm>>
        %dma_start3A_919 = arith.constant 0 : i32
        %dma_start3A_920 = arith.constant 0 : i32
        %dma_start3A_921 = tpu.memref_slice %arg6[%dma_start3A_912, %dma_start3A_919, %dma_start3A_920] : memref<16x16x128xf32, #tpu.memory_space<vmem>> -> memref<1x16x128xf32, #tpu.memory_space<vmem>>
        %dma_start3A_922 = tpu.memref_squeeze %dma_start3A_921 : memref<1x16x128xf32, #tpu.memory_space<vmem>> -> memref<16x128xf32, #tpu.memory_space<vmem>>
        %dma_start3A_923 = arith.constant 0 : i32
        %dma_start3A_924 = tpu.memref_slice %arg3[%dma_start3A_923, %multiple_of3A_911] : memref<16x1000000xf32, #tpu.memory_space<hbm>> -> memref<16x128xf32, #tpu.memory_space<hbm>>
        tpu.enqueue_dma source(%dma_start3A_924 : memref<16x128xf32, #tpu.memory_space<hbm>>) target(%dma_start3A_922 : memref<16x128xf32, #tpu.memory_space<vmem>>) target_semaphore(%arg23 : memref<!tpu.dma_semaphore, #tpu.memory_space<semaphore_mem>>)
      } else {
      }
    }
    %scan3A_323 = arith.constant 32 : i32
    "tpu.region"() ({
      %run_scoped3A = tpu.sem_alloc : memref<!tpu.dma_semaphore, #tpu.memory_space<semaphore_mem>>
      %dma_start3A_324 = arith.constant 0 : i32
      %dma_start3A_325 = tpu.memref_slice %arg4[%dma_start3A_324, %mul3A_2] : memref<16x16384xf32, #tpu.memory_space<hbm>> -> memref<16x512xf32, #tpu.memory_space<hbm>>
      %dma_start3A_326 = arith.constant 0 : i32
      %dma_start3A_327 = tpu.memref_slice %arg4[%dma_start3A_326, %mul3A_2] : memref<16x16384xf32, #tpu.memory_space<hbm>> -> memref<16x512xf32, #tpu.memory_space<hbm>>
      tpu.enqueue_dma source(%arg7 : memref<16x512xf32, #tpu.memory_space<vmem>>) target(%dma_start3A_327 : memref<16x512xf32, #tpu.memory_space<hbm>>) target_semaphore(%run_scoped3A : memref<!tpu.dma_semaphore, #tpu.memory_space<semaphore_mem>>)
      %dma_wait3A = arith.constant 0 : i32
      %dma_wait3A_328 = tpu.memref_slice %arg4[%dma_wait3A, %mul3A_2] : memref<16x16384xf32, #tpu.memory_space<hbm>> -> memref<16x512xf32, #tpu.memory_space<hbm>>
      %dma_wait3A_329 = arith.constant 0 : i32
      %dma_wait3A_330 = tpu.memref_slice %arg4[%dma_wait3A_329, %mul3A_2] : memref<16x16384xf32, #tpu.memory_space<hbm>> -> memref<16x512xf32, #tpu.memory_space<hbm>>
      tpu.wait_dma2 semaphore(%run_scoped3A : memref<!tpu.dma_semaphore, #tpu.memory_space<semaphore_mem>>) src(%arg7 : memref<16x512xf32, #tpu.memory_space<vmem>>) dst(%dma_wait3A_330 : memref<16x512xf32, #tpu.memory_space<hbm>>)
      tpu.yield
    }) : () -> ()
    return
  }
}

</mosaic_0001>

<sc_bundles>
// kernel: kernel.3.cloned.1.call-start
scs
__scs_entry_jumppad:
0x0: {  	(pc) =	sbr.rel $0x88, $3  }
0x1: {  	(tag) =	ssettag $0x0;
	lr =	simm.s32 $0x1  }
0x2: {  	[smem:$0x3F9F] =	sst lr;
	_ =	strace $0xD0000000  }
0x3: {  	_ = 	snop  }
0x4: {  	_ = 	snop  }
0x5: {  	_ = 	snop  }
0x6: {  	_ = 	snop  }
0x7: {  	_ = 	snop  }
__scs_overlays_trampoline_lowered:
0x8: {  	[smem:$0x3FAE] =	sst s0  }
0x9: {  	[smem:$0x3FAF] =	sst s1  }
0xa: {  	[smem:$0x3FB0] =	sst s2  }
0xb: {  	[smem:$0x3FB1] =	sst s3  }
0xc: {  	[smem:$0x3FB2] =	sst s4  }
0xd: {  	[smem:$0x3FB3] =	sst s5  }
0xe: {  	[smem:$0x3FB4] =	sst s6  }
0xf: {  	[smem:$0x3FB5] =	sst s7  }
0x10: {  	[smem:$0x3FB6] =	sst s8  }
0x11: {  	[smem:$0x3FB7] =	sst s9;
	s0 =	simm.s32 @!p0 $0x0  }
0x12: {  	s1 =	sld [smem:$0x3F9D];
	s0 =	simm.s32 @p0 $0x1  }
0x13: {  	[smem:$0x3FB8] =	sst s0;
	s0 =	simm.s32 @!p1 $0x0  }
0x14: {  	s2 =	sld [smem:$0x3F9C];
	s0 =	simm.s32 @p1 $0x1  }
0x15: {  	[smem:$0x3FB9] =	sst s0;
	s0 =	simm.s32 @!p2 $0x0  }
0x16: {  	s3 =	sld [smem:$0x3FDB];
	s0 =	simm.s32 @p2 $0x1  }
0x17: {  	s4 =	simm.s32 $0x1BF5;
	[smem:$0x3FBB] =	sst s0  }
0x18: {  	s0 =	sld [smem:$0x3F9E];
	_ =	swait.ge [sflag:s4], $0x0  }
0x19: {  	s7 =	sld [smem:$0x3F9F]  }
0x1a: {  	s8 =	sadd.s32 $0xFFFFE003, lr  }
0x1b: {  	s9 =	sadd.s32 $0xFFFFFEF7, lr;
	s5 =	simm.s32 $0xFFFFFFFF;
	p2 =	slt.u32 s8, $0xFFFFF086  }
0x1c: {  	p1 =	slt.u32 s9, $0xF7A;
	s5 =	simm.s32 @!p2 $0x0  }
0x1d: {  	s5 =	simm.s32 @p1 $0x1;
	p0 =	seq.s32 s7, s2  }
0x1e: {  	s7 =	smul.u32 @!p0 $0xF7A, s2;
	p2 =	seq.s32 @!p0 s5, $0x0  }
0x1f: {  	s9 =	smul.u32 $0xF7A, s1;
	s8 =	simm.s32 @!p0 $0x1BF5;
	p2 =	por !p2, p0  }
0x20: {  	[sflag:s8] =	ssyncset.s32 @!p0 $0xFFFFF086;
	s6 =	sadd.s32 @!p0 s3, s7;
	s7 =	simm.s32 @!p0 $0x108  }
0x21: {  	s3 =	sadd.s32 s3, s9;
	s6 =	sadd.s32 @!p0 $0x88, s6;
	s7 =	simm.s32 @p2 $0x1082  }
0x22: {  	[simem:s7], [sflag:s8] =	dma.local @!p0 [hbm:s6], $0xF7A  }
0x23: {  	s9 =	sor.u32 $0xD0000000, s2;
	s6 =	simm.s32 $0x108;
	_ =	swait.ge @!p0 [sflag:s8], $0x0  }
0x24: {  	s3 =	sadd.s32 $0x88, s3;
	s6 =	simm.s32 @!p1 $0x1082;
	[sflag:s4] =	ssyncset.s32 $0xFFFFF086  }
0x25: {  	[simem:s6], [sflag:s4] =	dma.local [hbm:s3], $0xF7A  }
0x26: {  	[smem:$0x3F9F] =	sst s1;
	(tag) =	ssettag s2;
	_ =	strace s9  }
0x27: {  	s1 =	sld [smem:$0x3FAF]  }
0x28: {  	s2 =	sld [smem:$0x3FB0]  }
0x29: {  	s4 =	sld [smem:$0x3FB2]  }
0x2a: {  	p0 =	seq.s32 s5, $0x0;
	s5 =	sld [smem:$0x3FB3]  }
0x2b: {  	s6 =	sld [smem:$0x3FB4]  }
0x2c: {  	s7 =	sld [smem:$0x3FB5]  }
0x2d: {  	s3 =	simm.s32 $0x108;
	s8 =	sld [smem:$0x3FB6]  }
0x2e: {  	s3 =	simm.s32 @!p0 $0x1082;
	s9 =	sld [smem:$0x3FB7]  }
0x2f: {  	lr =	sadd.s32 s0, s3;
	s0 =	sld [smem:$0x3FAE]  }
0x30: {  	s3 =	sld [smem:$0x3FB1]  }
0x31: {  	[smem:$0x3FBA] =	sst s10  }
0x32: {  	s10 =	sld [smem:$0x3FB8];
	_ =	sdelay $0x3  }
0x33: {  	p0 =	seq.s32 s10, $0x1;
	s10 =	sld [smem:$0x3FBA];
	_ =	sdelay $0x3  }
0x34: {  	[smem:$0x3FBA] =	sst s10  }
0x35: {  	s10 =	sld [smem:$0x3FB9];
	_ =	sdelay $0x3  }
0x36: {  	p1 =	seq.s32 s10, $0x1;
	s10 =	sld [smem:$0x3FBA];
	_ =	sdelay $0x3  }
0x37: {  	[smem:$0x3FBA] =	sst s10  }
0x38: {  	s10 =	sld [smem:$0x3FBB]  }
0x39: {  	_ = 	snop;
	(pc) =	sbr.ind lr, $3  }
0x3a: {  	_ = 	snop  }
0x3b: {  	_ = 	snop  }
0x3c: {  	p2 =	seq.s32 s10, $0x1;
	s10 =	sld [smem:$0x3FBA]  }
0x3d: {  	_ =	shalt  }
0x3e: {  	_ =	shalt  }
0x3f: {  	_ =	shalt  }
0x40: {  	_ =	shalt  }
0x41: {  	_ =	shalt  }
0x42: {  	_ =	shalt  }
0x43: {  	_ =	shalt  }
0x44: {  	_ =	shalt  }
0x45: {  	_ =	shalt  }
0x46: {  	_ =	shalt  }
0x47: {  	_ =	shalt  }
0x48: {  	_ =	shalt  }
0x49: {  	_ =	shalt  }
0x4a: {  	_ =	shalt  }
0x4b: {  	_ =	shalt  }
0x4c: {  	_ =	shalt  }
0x4d: {  	_ =	shalt  }
0x4e: {  	_ =	shalt  }
0x4f: {  	_ =	shalt  }
0x50: {  	_ =	shalt  }
0x51: {  	_ =	shalt  }
0x52: {  	_ =	shalt  }
0x53: {  	_ =	shalt  }
0x54: {  	_ =	shalt  }
0x55: {  	_ =	shalt  }
0x56: {  	_ =	shalt  }
0x57: {  	_ =	shalt  }
0x58: {  	_ =	shalt  }
0x59: {  	_ =	shalt  }
0x5a: {  	_ =	shalt  }
0x5b: {  	_ =	shalt  }
0x5c: {  	_ =	shalt  }
0x5d: {  	_ =	shalt  }
0x5e: {  	_ =	shalt  }
0x5f: {  	_ =	shalt  }
0x60: {  	_ =	shalt  }
0x61: {  	_ =	shalt  }
0x62: {  	_ =	shalt  }
0x63: {  	_ =	shalt  }
0x64: {  	_ =	shalt  }
0x65: {  	_ =	shalt  }
0x66: {  	_ =	shalt  }
0x67: {  	_ =	shalt  }
0x68: {  	_ =	shalt  }
0x69: {  	_ =	shalt  }
0x6a: {  	_ =	shalt  }
0x6b: {  	_ =	shalt  }
0x6c: {  	_ =	shalt  }
0x6d: {  	_ =	shalt  }
0x6e: {  	_ =	shalt  }
0x6f: {  	_ =	shalt  }
0x70: {  	_ =	shalt  }
0x71: {  	_ =	shalt  }
0x72: {  	_ =	shalt  }
0x73: {  	_ =	shalt  }
0x74: {  	_ =	shalt  }
0x75: {  	_ =	shalt  }
0x76: {  	_ =	shalt  }
0x77: {  	_ =	shalt  }
0x78: {  	_ =	shalt  }
0x79: {  	_ =	shalt  }
0x7a: {  	_ =	shalt  }
0x7b: {  	_ =	shalt  }
0x7c: {  	_ =	shalt  }
0x7d: {  	_ =	shalt  }
0x7e: {  	_ =	shalt  }
0x7f: {  	_ =	shalt  }
0x80: {  	_ =	shalt  }
0x81: {  	_ =	shalt  }
0x82: {  	_ =	shalt  }
0x83: {  	_ =	shalt  }
0x84: {  	_ =	shalt  }
0x85: {  	_ =	shalt  }
0x86: {  	_ =	shalt  }
0x87: {  	_ =	shalt  }
.Lfunc_end0:
.L_simem_size_0:
called_computation_lowered:
.L_overlay_start_0:
0x88: {  	s2 =	sld [smem:$0x3FD9]  }
0x89: {  	s3 =	sld [smem:$0x3FFE];
	_ =	sdelay $0x1  }
0x8a: {  	s1 =	srdreg.scid  }
0x8b: {  	s0 =	sand.u32 $0x1, s1  }
0x8c: {  	s18 =	sshll.u32 s0, $0xA;
	s2 =	sadd.s32 s3, s2  }
0x8d: {  	s2 =	sadd.s32 s2, s18  }
0x8e: {  	[smem:$0x3FC6] =	sst s2  }
0x8f: {  	_ = 	snop  }
0x90: {  	s2 =	sld [smem:$0x3FC9]  }
0x91: {  	s19 =	sld [smem:$0x3FC8]  }
0x92: {  	s4 =	sld [smem:$0x3FD0];
	(tm) =	ssettm $0x1  }
0x93: {  	s5 =	sld [smem:$0x3FFB];
	_ =	sdelay $0x3  }
0x94: {  	_ =	strace s5  }
0x95: {  	s5 =	sld [smem:$0x3FFC];
	_ =	sdelay $0x3  }
0x96: {  	_ =	strace s5  }
0x97: {  	s5 =	sld [smem:$0x3FFD];
	_ =	sdelay $0x3  }
0x98: {  	_ =	strace s5  }
0x99: {  	_ =	strace $0x8FFFFFFF  }
0x9a: {  	s20 =	sld [smem:$0x3FDB];
	_ =	sdelay $0x1  }
0x9b: {  	s6 =	simm.s32 $_scs_section_size  }
0x9c: {  	s7 =	simm.s32 $_size__tile_overlayer_lowered;
	s8 =	simm.s32 $_tile_overlayer_lowered  }
0x9d: {  	s23 =	simm.s32 $0x1BFF;
	s22 =	sshll.u32 s8, $0x1;
	s5 =	sadd.s32 s6, s20  }
0x9e: {  	s9 =	simm.s32 $0x0;
	s21 =	sshll.u32 s7, $0x1;
	s7 =	sadd.s32 s22, s5  }
0x9f: {  	[timem:s9], [sflag:s23] =	dma.local [hbm:s7], s21  }
0xa0: {  	_ =	swait.ge [sflag:s23], s21  }
0xa1: {  	s6 =	ssub.s32 $0x0, s21;
	[sflag:s23] =	ssyncset.done $0x0  }
0xa2: {  	[sflag:s23] =	ssyncadd.s32 s6;
	_ =	sdelay $0x1  }
0xa3: {  	s24 =	simm.s32 $0x1B8B  }
0xa4: {  	_ =	swait.ge [sflag:s24], $0x1  }
0xa5: {  	[sflag:s24] =	ssyncset.done $0x0  }
0xa6: {  	s25 =	simm.s32 $0x1B8E;
	[sflag:s24] =	ssyncadd.s32 $0xFFFFFFFF  }
0xa7: {  	s26 =	simm.s32 $execute0_lowered;
	[smem:$0x3FD2] =	sst s25  }
0xa8: {  	s6 =	sshll.u32 s26, $0x1;
	_ =	strace $0x80000046;
	[dreg:$0x1] =	wrdreg $0xFFFFFFFF  }
0xa9: {  	s28 =	simm.s32 $_size_execute0_lowered;
	s5 =	sadd.s32 s5, s6;
	[dreg:$0x0] =	wrdreg $0x0  }
0xaa: {  	s6 =	sshll.u32 s28, $0x1;
	[dreg:$0x2] =	wrdreg s5  }
0xab: {  	[dreg:$0x3] =	wrdreg s6  }
0xac: {  	[dreg:$0x4] =	wrdreg $0xC0  }
0xad: {  	_ =	task [dreg:s9], $0x5FFFF  }
0xae: {  	[dreg:$0x1] =	wrdreg $0xFFFFFFFF  }
0xaf: {  	[dreg:$0x0] =	wrdreg $0x60  }
0xb0: {  	[dreg:$0x2] =	wrdreg s2  }
0xb1: {  	[dreg:$0x3] =	wrdreg s19  }
0xb2: {  	[dreg:$0x4] =	wrdreg s4  }
0xb3: {  	[dreg:$0x5] =	wrdreg $0x9  }
0xb4: {  	_ =	task.clear_ibuf [dreg:s9], $0x6FFFF;
	_ =	strace $0x90000046  }
0xb5: {  	s29 =	simm.s32 $0x9;
	_ =	strace $0x80000048  }
0xb6: {  	_ =	swait.ge [sflag:s29], $0x1  }
0xb7: {  	[sflag:s29] =	ssyncadd.s32 $0xFFFFFFFF  }
0xb8: {  	_ =	strace $0x90000048  }
0xb9: {  	_ =	sfence  }
0xba: {  	s30 =	sld [smem:$0x0];
	_ =	sdelay $0x2  }
0xbb: {  	s31 =	sshll.u32 s1, $0xD;
	s1 =	sshrl.u32 s1, $0x2  }
0xbc: {  	s3 =	sand.u32 $0x4000, s31;
	s1 =	sadd.s32 s1, s30  }
0xbd: {  	s0 =	sor.u32 s3, s0;
	s1 =	sshll.u32 s1, $0x11  }
0xbe: {  	s0 =	sor.u32 s1, s0  }
0xbf: {  	s0 =	sadd.s32 $0x8F2B, s0  }
0xc0: {  	[sflag:s0] =	ssyncadd.remote.s32 $0x1  }
0xc1: {  	_ =	sfence.sel $0xFFFF  }
0xc2: {  	[dreg:$0x0] =	wrdreg $0xFFFFFFFF;
	(pc) =	sbr.abs _section_cstart, $3  }
0xc3: {  	[dreg:$0x1] =	wrdreg $0xFFFFFFFF  }
0xc4: {  	_ =	task.clear_ibuf [dreg:s9], $0x2FFFF;
	_ =	strace $0x9FFFFFFF  }
0xc5: {  	(tm) =	ssettm $0x7FFFFFFF  }
tec
execute0_lowered:
.L_overlay_start_1:
0x0: {  	(tag) =	ssettag $0x1  }
0x1: {  	s0 =	rddreg [dreg:$0x0]  }
0x2: {  	s1 =	rddreg [dreg:$0x1]  }
0x3: {  	s2 =	rddreg [dreg:$0x2];
	s3 =	srdreg.scid;
	s6 =	simm.s32 $0x0;
	v0 =	vimm.s32 $0x1380;
	vm0 =	vcmask $0x300  }
0x4: {  	s5 =	stileid.u32;
	vm14 =	vcmask $0x704;
	s15 =	simm.s32 $0x11;
	s18 =	simm.s32 $0x200;
	v0 =	vsel vm0, $0x0, v0  }
0x5: {  	vm15 =	vcmask $0xB08;
	s17 =	simm.s32 $0xA00;
	s19 =	simm.s32 $0x1200;
	s20 =	simm.s32 $0x1A00;
	v0 =	vsel vm14, $0x80, v0  }
0x6: {  	vm4 =	vcmask $0xF0C;
	s21 =	simm.s32 $0x2200;
	s22 =	simm.s32 $0x2A00;
	s23 =	simm.s32 $0x3200;
	v0 =	vsel vm15, $0x100, v0  }
0x7: {  	vm5 =	vcmask $0x1310;
	s28 =	simm.s32 $0x8200;
	s29 =	simm.s32 $0x2;
	s30 =	simm.s32 $0x3;
	v0 =	vsel vm4, $0x180, v0  }
0x8: {  	vm6 =	vcmask $0x1714;
	s31 =	simm.s32 $0x4;
	s7 =	simm.s32 $0xB;
	s8 =	simm.s32 $0xC;
	v0 =	vsel vm5, $0x200, v0  }
0x9: {  	vm7 =	vcmask $0x1B18;
	s9 =	simm.s32 $0xD;
	s10 =	simm.s32 $0xE;
	s11 =	simm.s32 $0xF;
	v0 =	vsel vm6, $0x280, v0  }
0xa: {  	vm8 =	vcmask $0x1F1C;
	s12 =	simm.s32 $0x10;
	s14 =	simm.s32 $0x0;
	s3 =	sand.u32 $0x1, s3;
	v0 =	vsel vm7, $0x300, v0  }
0xb: {  	vm9 =	vcmask $0x2320;
	s5 =	sshll.u32 s5, $0xA;
	[smem:$0x7FF] =	sst s6;
	s4 =	ssub.s32 $0x2, s3;
	v0 =	vsel vm8, $0x380, v0  }
0xc: {  	vm10 =	vcmask $0x2724;
	s6 =	simm.s32 $0xA;
	s3 =	sshll.u32 s3, $0x9;
	s24 =	sshrl.u32 s4, $0x1;
	v0 =	vsel vm9, $0x1000, v0  }
0xd: {  	vm11 =	vcmask $0x2B28;
	_ =	strace $0x80000047;
	s3 =	sor.u32 s3, s5;
	s4 =	ssub.s32 s4, s24;
	v0 =	vsel vm10, $0x1080, v0  }
0xe: {  	vm12 =	vcmask $0x2F2C;
	s5 =	sshrl.u32 s3, $0x3;
	s25 =	sadd.s32 s2, s3;
	s24 =	simm.s32 $0x3A00;
	v0 =	vsel vm11, $0x1100, v0  }
0xf: {  	vm13 =	vcmask $0x3330;
	s2 =	simm.s32 $0x6;
	s3 =	simm.s32 $0x7;
	s0 =	sadd.s32 s0, s5;
	v0 =	vsel vm12, $0x1180, v0  }
0x10: {  	vm14 =	vcmask $0x3734;
	[dreg:$0x5] =	wrdreg s25;
	s26 =	smax.u32 s4, $0x1;
	s25 =	simm.s32 $0x4200;
	v0 =	vsel vm13, $0x1200, v0  }
0x11: {  	v1 =	vlaneseq.u32;
	vm15 =	vcmask $0x3B38;
	s4 =	simm.s32 $0x8;
	s5 =	simm.s32 $0x9;
	[dreg:$0x4] =	wrdreg s0;
	v2 =	vsel vm14, $0x1280, v0  }
0x12: {  	[dreg:$0x6] =	wrdreg s26;
	s26 =	simm.s32 $0x1;
	s0 =	simm.s32 $0x5;
	v0 =	vmul.u32 $0x80, v1;
	v1 =	vsel vm15, $0x1300, v2  }
.LBB2_1:
0x13: {  	[dreg:$0x7] =	wrdreg s14  }
0x14: {  	s13 =	simm.s32 $0x0;
	s16 =	rddreg [dreg:$0x4]  }
0x15: {  	[tilespmem:s13], [sflag:$0x11] =	stream.linear.gather [hbm4b:s16+s13], $0x200, $0x38;
	[tilespmem:$0xA200] =	vst v63  }
0x16: {  	_ =	swait.ge [sflag:s15], $0x200  }
0x17: {  	[sflag:s15] =	ssyncset.done $0x0  }
0x18: {  	[sflag:s15] =	ssyncadd.s32 $0xFFFFFE00  }
0x19: {  	v2 =	vld [tilespmem:$0x0];
	_ =	sdelay $0x4  }
0x1a: {  	(v2sf) =	vpush v2, $0x0;
	_ =	sdelay $0x1  }
0x1b: {  	(v2sf) =	vpush v2, $0x1;
	_ =	sdelay $0x4  }
0x1c: {  	(v2sf) =	vpush v2, $0x2;
	_ =	sdelay $0x3  }
0x1d: {  	(v2sf) =	vpush v2, $0x3;
	_ =	sdelay $0x3  }
0x1e: {  	s16 =	spop (v2sf);
	(v2sf) =	vpush v2, $0x4  }
0x1f: {  	s15 =	simm.s32 $0x400;
	s13 =	sand.u32 $0xFFFFF80, s16  }
0x20: {  	s16 =	simm.s32 $0x7A1400;
	s14 =	spop (v2sf);
	s13 =	sadd.s32 s1, s13  }
0x21: {  	[tilespmem:s18], [sflag:$0x1] =	stream.strided.gather [hbm4b:s13+s15], $0x800, s16, s15, $0x38;
	[tilespmem:$0xA200] =	vst v63  }
0x22: {  	(v2sf) =	vpush v2, $0x5;
	s13 =	sand.u32 $0xFFFFF80, s14  }
0x23: {  	s13 =	sadd.s32 s1, s13  }
0x24: {  	[tilespmem:s17], [sflag:$0x2] =	stream.strided.gather [hbm4b:s13+s15], $0x800, s16, s15, $0x38;
	[tilespmem:$0xA200] =	vst v63  }
0x25: {  	s17 =	spop (v2sf)  }
0x26: {  	(v2sf) =	vpush v2, $0x6;
	s13 =	sand.u32 $0xFFFFF80, s17  }
0x27: {  	s13 =	sadd.s32 s1, s13  }
0x28: {  	[tilespmem:s19], [sflag:$0x3] =	stream.strided.gather [hbm4b:s13+s15], $0x800, s16, s15, $0x38;
	[tilespmem:$0xA200] =	vst v63  }
0x29: {  	s19 =	spop (v2sf)  }
0x2a: {  	(v2sf) =	vpush v2, $0x7;
	s13 =	sand.u32 $0xFFFFF80, s19  }
0x2b: {  	s13 =	sadd.s32 s1, s13  }
0x2c: {  	[tilespmem:s20], [sflag:$0x4] =	stream.strided.gather [hbm4b:s13+s15], $0x800, s16, s15, $0x38;
	[tilespmem:$0xA200] =	vst v63  }
0x2d: {  	s20 =	spop (v2sf)  }
0x2e: {  	s13 =	sand.u32 $0xFFFFF80, s20  }
0x2f: {  	(v2sf) =	vpush v2, $0x8;
	s13 =	sadd.s32 s1, s13  }
0x30: {  	[tilespmem:s21], [sflag:$0x5] =	stream.strided.gather [hbm4b:s13+s15], $0x800, s16, s15, $0x38;
	[tilespmem:$0xA200] =	vst v63  }
0x31: {  	s21 =	spop (v2sf);
	(v2sf) =	vpush v2, $0x9  }
0x32: {  	s13 =	sand.u32 $0xFFFFF80, s21  }
0x33: {  	s13 =	sadd.s32 s1, s13  }
0x34: {  	(v2sf) =	vpush v2, $0xA;
	[tilespmem:s22], [sflag:$0x6] =	stream.strided.gather [hbm4b:s13+s15], $0x800, s16, s15, $0x38;
	[tilespmem:$0xA200] =	vst v63  }
0x35: {  	s22 =	spop (v2sf)  }
0x36: {  	(v2sf) =	vpush v2, $0xB;
	s13 =	sand.u32 $0xFFFFF80, s22  }
0x37: {  	s13 =	sadd.s32 s1, s13  }
0x38: {  	[tilespmem:s23], [sflag:$0x7] =	stream.strided.gather [hbm4b:s13+s15], $0x800, s16, s15, $0x38;
	[tilespmem:$0xA200] =	vst v63  }
0x39: {  	s23 =	spop (v2sf);
	(v2sf) =	vpush v2, $0xC;
	_ =	sdelay $0x1  }
0x3a: {  	s13 =	sand.u32 $0xFFFFF80, s23  }
0x3b: {  	s13 =	sadd.s32 s1, s13  }
0x3c: {  	[tilespmem:s24], [sflag:$0x8] =	stream.strided.gather [hbm4b:s13+s15], $0x800, s16, s15, $0x38;
	[tilespmem:$0xA200] =	vst v63  }
0x3d: {  	s14 =	spop (v2sf);
	(v2sf) =	vpush v2, $0xD  }
0x3e: {  	s13 =	sand.u32 $0xFFFFF80, s14  }
0x3f: {  	s13 =	sadd.s32 s1, s13;
	s17 =	spop (v2sf);
	(v2sf) =	vpush v2, $0xE  }
0x40: {  	[tilespmem:s25], [sflag:$0x9] =	stream.strided.gather [hbm4b:s13+s15], $0x800, s16, s15, $0x38;
	[tilespmem:$0xA200] =	vst v63  }
0x41: {  	s13 =	sand.u32 $0xFFFFF80, s17  }
0x42: {  	s19 =	simm.s32 $0x4A00;
	s20 =	spop (v2sf);
	(v2sf) =	vpush v2, $0xF;
	s13 =	sadd.s32 s1, s13  }
0x43: {  	[tilespmem:s19], [sflag:$0xA] =	stream.strided.gather [hbm4b:s13+s15], $0x800, s16, s15, $0x38;
	[tilespmem:$0xA200] =	vst v63  }
0x44: {  	s13 =	sand.u32 $0xFFFFF80, s20;
	s21 =	spop (v2sf)  }
0x45: {  	s22 =	simm.s32 $0x5200;
	s13 =	sadd.s32 s1, s13;
	s23 =	sand.u32 $0xFFFFF80, s21  }
0x46: {  	[tilespmem:s22], [sflag:$0xB] =	stream.strided.gather [hbm4b:s13+s15], $0x800, s16, s15, $0x38;
	[tilespmem:$0xA200] =	vst v63  }
0x47: {  	s25 =	simm.s32 $0x5A00;
	s13 =	sadd.s32 s1, s23;
	s24 =	spop (v2sf)  }
0x48: {  	[tilespmem:s25], [sflag:$0xC] =	stream.strided.gather [hbm4b:s13+s15], $0x800, s16, s15, $0x38;
	[tilespmem:$0xA200] =	vst v63  }
0x49: {  	s19 =	sand.u32 $0xFFFFF80, s24  }
0x4a: {  	s21 =	simm.s32 $0x6200;
	s13 =	sadd.s32 s1, s19  }
0x4b: {  	[tilespmem:s21], [sflag:$0xD] =	stream.strided.gather [hbm4b:s13+s15], $0x800, s16, s15, $0x38;
	[tilespmem:$0xA200] =	vst v63  }
0x4c: {  	s20 =	spop (v2sf)  }
0x4d: {  	s22 =	sand.u32 $0xFFFFF80, s20  }
0x4e: {  	s20 =	simm.s32 $0x6A00;
	s13 =	sadd.s32 s1, s22;
	s23 =	spop (v2sf)  }
0x4f: {  	[tilespmem:s20], [sflag:$0xE] =	stream.strided.gather [hbm4b:s13+s15], $0x800, s16, s15, $0x38;
	[tilespmem:$0xA200] =	vst v63  }
0x50: {  	s24 =	sand.u32 $0xFFFFF80, s23  }
0x51: {  	s25 =	spop (v2sf);
	s13 =	sadd.s32 s1, s24;
	s24 =	simm.s32 $0x7200  }
0x52: {  	[tilespmem:s24], [sflag:$0xF] =	stream.strided.gather [hbm4b:s13+s15], $0x800, s16, s15, $0x38;
	[tilespmem:$0xA200] =	vst v63  }
0x53: {  	s14 =	simm.s32 $0x1;
	s21 =	simm.s32 $0x7A00;
	s13 =	sand.u32 $0xFFFFF80, s25  }
0x54: {  	s22 =	simm.s32 $0x4200;
	s23 =	simm.s32 $0x2200;
	s13 =	sadd.s32 s1, s13  }
0x55: {  	[tilespmem:s21], [sflag:$0x10] =	stream.strided.gather [hbm4b:s13+s15], $0x800, s16, s15, $0x38;
	[tilespmem:$0xA200] =	vst v63  }
0x56: {  	s25 =	simm.s32 $0x3200;
	s13 =	simm.s32 $0x0;
	s15 =	simm.s32 $0xF  }
.LBB2_2:
0x57: {  	v2 =	vld [tilespmem:s13+$0x0];
	_ =	sdelay $0x1  }
0x58: {  	s16 =	smin.u32 s14, $0x1F  }
0x59: {  	s16 =	sshll.u32 s16, $0x4  }
0x5a: {  	v3 =	vld [tilespmem:s16+$0x0];
	_ =	swait.ge [sflag:s26], $0x800  }
0x5b: {  	(v2sf) =	vpush v2, $0x0;
	_ =	sdelay $0x8  }
0x5c: {  	p0 =	seq.s32 s15, $0x1FF  }
0x5d: {  	(v2sf) =	vpush @!p0 v3, $0x0;
	_ =	sdelay $0x4  }
0x5e: {  	s17 =	spop (v2sf)  }
0x5f: {  	s16 =	sand.u32 $0x7F, s17  }
0x60: {  	s17 =	sadd.s32 $0xFFFFFFF1, s15;
	v4 =	vor.u32 s16, v0  }
0x61: {  	v5 =	vmov s17  }
0x62: {  	v6 =	vshll.u32 v5, $0x3  }
0x63: {  	[sflag:s26] =	ssyncset.done $0x0;
	v5 =	vand.u32 $0x70, v5;
	v6 =	vand.u32 $0xC00, v6  }
0x64: {  	[sflag:s26] =	ssyncadd.s32 $0xFFFFF800;
	v5 =	vor.u32 v6, v5  }
0x65: {  	v5 =	vor.u32 v1, v5;
	v4 =	vld.idx.msk [tilespmem:v4+s18+$0x0], $0xffff;
	_ =	sdelay $0x2  }
0x66: {  	s16 =	spop @!p0 (v2sf)  }
0x67: {  	s19 =	simm.s32 @!p0 $0x200;
	s16 =	sand.u32 @!p0 $0xFFFFF80, s16  }
0x68: {  	s17 =	simm.s32 @!p0 $0x7A1400;
	s18 =	sadd.s32 @!p0 s1, s16;
	s16 =	simm.s32 @!p0 $0x400;
	[tilespmem:v5+s28+$0x0] =	vst.idx.msk $0xffff, v4  }
0x69: {  	[tilespmem:s19], [sflag:$0x1] =	stream.strided.gather @!p0 [hbm4b:s18+s16], $0x800, s17, s16, $0x38;
	[tilespmem:$0xA200] =	vst v63  }
0x6a: {  	_ =	swait.ge [sflag:s29], $0x800  }
0x6b: {  	(v2sf) =	vpush v2, $0x1;
	_ =	sdelay $0x9  }
0x6c: {  	(v2sf) =	vpush @!p0 v3, $0x1;
	_ =	sdelay $0x4  }
0x6d: {  	s19 =	spop (v2sf)  }
0x6e: {  	s18 =	sand.u32 $0x7F, s19  }
0x6f: {  	s19 =	sadd.s32 $0xFFFFFFF2, s15;
	v21 =	vor.u32 s18, v0  }
0x70: {  	v22 =	vmov s19  }
0x71: {  	v23 =	vshll.u32 v22, $0x3  }
0x72: {  	[sflag:s29] =	ssyncset.done $0x0;
	v5 =	vand.u32 $0x71, v22;
	v6 =	vand.u32 $0xC00, v23  }
0x73: {  	[sflag:s29] =	ssyncadd.s32 $0xFFFFF800;
	s19 =	simm.s32 $0xA00;
	v5 =	vor.u32 v6, v5  }
0x74: {  	v5 =	vor.u32 v1, v5;
	v4 =	vld.idx.msk [tilespmem:v21+s19+$0x0], $0xffff;
	_ =	sdelay $0x2  }
0x75: {  	s18 =	spop @!p0 (v2sf)  }
0x76: {  	s18 =	sand.u32 @!p0 $0xFFFFF80, s18  }
0x77: {  	s18 =	sadd.s32 @!p0 s1, s18;
	s19 =	simm.s32 @!p0 $0xA00;
	[tilespmem:v5+s28+$0x0] =	vst.idx.msk $0xffff, v4  }
0x78: {  	[tilespmem:s19], [sflag:$0x2] =	stream.strided.gather @!p0 [hbm4b:s18+s16], $0x800, s17, s16, $0x38;
	[tilespmem:$0xA200] =	vst v63  }
0x79: {  	_ =	swait.ge [sflag:s30], $0x800  }
0x7a: {  	(v2sf) =	vpush v2, $0x2;
	_ =	sdelay $0x9  }
0x7b: {  	(v2sf) =	vpush @!p0 v3, $0x2;
	_ =	sdelay $0x4  }
0x7c: {  	s19 =	spop (v2sf)  }
0x7d: {  	s18 =	sand.u32 $0x7F, s19  }
0x7e: {  	s19 =	sadd.s32 $0xFFFFFFF3, s15;
	v24 =	vor.u32 s18, v0  }
0x7f: {  	v25 =	vmov s19  }
0x80: {  	v26 =	vshll.u32 v25, $0x3  }
0x81: {  	[sflag:s30] =	ssyncset.done $0x0;
	v5 =	vand.u32 $0x72, v25;
	v6 =	vand.u32 $0xC00, v26  }
0x82: {  	[sflag:s30] =	ssyncadd.s32 $0xFFFFF800;
	s19 =	simm.s32 $0x1200;
	v5 =	vor.u32 v6, v5  }
0x83: {  	v5 =	vor.u32 v1, v5;
	v4 =	vld.idx.msk [tilespmem:v24+s19+$0x0], $0xffff;
	_ =	sdelay $0x2  }
0x84: {  	s18 =	spop @!p0 (v2sf)  }
0x85: {  	s18 =	sand.u32 @!p0 $0xFFFFF80, s18  }
0x86: {  	s18 =	sadd.s32 @!p0 s1, s18;
	s19 =	simm.s32 @!p0 $0x1200;
	[tilespmem:v5+s28+$0x0] =	vst.idx.msk $0xffff, v4  }
0x87: {  	[tilespmem:s19], [sflag:$0x3] =	stream.strided.gather @!p0 [hbm4b:s18+s16], $0x800, s17, s16, $0x38;
	[tilespmem:$0xA200] =	vst v63  }
0x88: {  	_ =	swait.ge [sflag:s31], $0x800  }
0x89: {  	(v2sf) =	vpush v2, $0x3;
	_ =	sdelay $0x9  }
0x8a: {  	(v2sf) =	vpush @!p0 v3, $0x3;
	_ =	sdelay $0x4  }
0x8b: {  	s19 =	spop (v2sf)  }
0x8c: {  	s18 =	sand.u32 $0x7F, s19  }
0x8d: {  	s19 =	sadd.s32 $0xFFFFFFF4, s15;
	v27 =	vor.u32 s18, v0  }
0x8e: {  	v28 =	vmov s19  }
0x8f: {  	v29 =	vshll.u32 v28, $0x3  }
0x90: {  	[sflag:s31] =	ssyncset.done $0x0;
	v5 =	vand.u32 $0x73, v28;
	v6 =	vand.u32 $0xC00, v29  }
0x91: {  	[sflag:s31] =	ssyncadd.s32 $0xFFFFF800;
	s19 =	simm.s32 $0x1A00;
	v5 =	vor.u32 v6, v5  }
0x92: {  	v5 =	vor.u32 v1, v5;
	v4 =	vld.idx.msk [tilespmem:v27+s19+$0x0], $0xffff;
	_ =	sdelay $0x2  }
0x93: {  	s18 =	spop @!p0 (v2sf)  }
0x94: {  	s18 =	sand.u32 @!p0 $0xFFFFF80, s18  }
0x95: {  	s18 =	sadd.s32 @!p0 s1, s18;
	s19 =	simm.s32 @!p0 $0x1A00;
	[tilespmem:v5+s28+$0x0] =	vst.idx.msk $0xffff, v4  }
0x96: {  	[tilespmem:s19], [sflag:$0x4] =	stream.strided.gather @!p0 [hbm4b:s18+s16], $0x800, s17, s16, $0x38;
	[tilespmem:$0xA200] =	vst v63  }
0x97: {  	_ =	swait.ge [sflag:s0], $0x800  }
0x98: {  	(v2sf) =	vpush v2, $0x4;
	_ =	sdelay $0x9  }
0x99: {  	(v2sf) =	vpush @!p0 v3, $0x4;
	_ =	sdelay $0x4  }
0x9a: {  	s19 =	spop (v2sf)  }
0x9b: {  	s18 =	sand.u32 $0x7F, s19  }
0x9c: {  	s19 =	sadd.s32 $0xFFFFFFF5, s15;
	v30 =	vor.u32 s18, v0  }
0x9d: {  	v31 =	vmov s19  }
0x9e: {  	v32 =	vshll.u32 v31, $0x3  }
0x9f: {  	[sflag:s0] =	ssyncset.done $0x0;
	v5 =	vand.u32 $0x74, v31;
	v6 =	vand.u32 $0xC00, v32  }
0xa0: {  	[sflag:s0] =	ssyncadd.s32 $0xFFFFF800;
	v5 =	vor.u32 v6, v5  }
0xa1: {  	v5 =	vor.u32 v1, v5;
	v4 =	vld.idx.msk [tilespmem:v30+s23+$0x0], $0xffff;
	_ =	sdelay $0x2  }
0xa2: {  	s18 =	spop @!p0 (v2sf)  }
0xa3: {  	s18 =	sand.u32 @!p0 $0xFFFFF80, s18  }
0xa4: {  	s19 =	simm.s32 @!p0 $0x2200;
	s18 =	sadd.s32 @!p0 s1, s18;
	[tilespmem:v5+s28+$0x0] =	vst.idx.msk $0xffff, v4  }
0xa5: {  	[tilespmem:s19], [sflag:$0x5] =	stream.strided.gather @!p0 [hbm4b:s18+s16], $0x800, s17, s16, $0x38;
	[tilespmem:$0xA200] =	vst v63  }
0xa6: {  	_ =	swait.ge [sflag:s2], $0x800  }
0xa7: {  	(v2sf) =	vpush v2, $0x5;
	_ =	sdelay $0x9  }
0xa8: {  	(v2sf) =	vpush @!p0 v3, $0x5;
	_ =	sdelay $0x4  }
0xa9: {  	s19 =	spop (v2sf)  }
0xaa: {  	s18 =	sand.u32 $0x7F, s19  }
0xab: {  	s19 =	sadd.s32 $0xFFFFFFF6, s15;
	v33 =	vor.u32 s18, v0  }
0xac: {  	v34 =	vmov s19  }
0xad: {  	v35 =	vshll.u32 v34, $0x3  }
0xae: {  	[sflag:s2] =	ssyncset.done $0x0;
	v5 =	vand.u32 $0x75, v34;
	v6 =	vand.u32 $0xC00, v35  }
0xaf: {  	[sflag:s2] =	ssyncadd.s32 $0xFFFFF800;
	s19 =	simm.s32 $0x2A00;
	v5 =	vor.u32 v6, v5  }
0xb0: {  	v5 =	vor.u32 v1, v5;
	v4 =	vld.idx.msk [tilespmem:v33+s19+$0x0], $0xffff;
	_ =	sdelay $0x2  }
0xb1: {  	s18 =	spop @!p0 (v2sf)  }
0xb2: {  	s18 =	sand.u32 @!p0 $0xFFFFF80, s18  }
0xb3: {  	s18 =	sadd.s32 @!p0 s1, s18;
	s19 =	simm.s32 @!p0 $0x2A00;
	[tilespmem:v5+s28+$0x0] =	vst.idx.msk $0xffff, v4  }
0xb4: {  	[tilespmem:s19], [sflag:$0x6] =	stream.strided.gather @!p0 [hbm4b:s18+s16], $0x800, s17, s16, $0x38;
	[tilespmem:$0xA200] =	vst v63  }
0xb5: {  	_ =	swait.ge [sflag:s3], $0x800  }
0xb6: {  	(v2sf) =	vpush v2, $0x6;
	_ =	sdelay $0x9  }
0xb7: {  	(v2sf) =	vpush @!p0 v3, $0x6;
	_ =	sdelay $0x4  }
0xb8: {  	s19 =	spop (v2sf)  }
0xb9: {  	s18 =	sand.u32 $0x7F, s19  }
0xba: {  	s19 =	sadd.s32 $0xFFFFFFF7, s15;
	v36 =	vor.u32 s18, v0  }
0xbb: {  	v37 =	vmov s19  }
0xbc: {  	v38 =	vshll.u32 v37, $0x3  }
0xbd: {  	[sflag:s3] =	ssyncset.done $0x0;
	v5 =	vand.u32 $0x76, v37;
	v6 =	vand.u32 $0xC00, v38  }
0xbe: {  	[sflag:s3] =	ssyncadd.s32 $0xFFFFF800;
	v5 =	vor.u32 v6, v5  }
0xbf: {  	v5 =	vor.u32 v1, v5;
	v4 =	vld.idx.msk [tilespmem:v36+s25+$0x0], $0xffff;
	_ =	sdelay $0x2  }
0xc0: {  	s18 =	spop @!p0 (v2sf)  }
0xc1: {  	s18 =	sand.u32 @!p0 $0xFFFFF80, s18  }
0xc2: {  	s19 =	simm.s32 @!p0 $0x3200;
	s18 =	sadd.s32 @!p0 s1, s18;
	[tilespmem:v5+s28+$0x0] =	vst.idx.msk $0xffff, v4  }
0xc3: {  	[tilespmem:s19], [sflag:$0x7] =	stream.strided.gather @!p0 [hbm4b:s18+s16], $0x800, s17, s16, $0x38;
	[tilespmem:$0xA200] =	vst v63  }
0xc4: {  	_ =	swait.ge [sflag:s4], $0x800  }
0xc5: {  	(v2sf) =	vpush v2, $0x7;
	_ =	sdelay $0x9  }
0xc6: {  	(v2sf) =	vpush @!p0 v3, $0x7;
	_ =	sdelay $0x4  }
0xc7: {  	s19 =	spop (v2sf)  }
0xc8: {  	s18 =	sand.u32 $0x7F, s19  }
0xc9: {  	s19 =	sadd.s32 $0xFFFFFFF8, s15;
	v39 =	vor.u32 s18, v0  }
0xca: {  	v40 =	vmov s19  }
0xcb: {  	v41 =	vshll.u32 v40, $0x3  }
0xcc: {  	[sflag:s4] =	ssyncset.done $0x0;
	v5 =	vand.u32 $0x77, v40;
	v6 =	vand.u32 $0xC00, v41  }
0xcd: {  	[sflag:s4] =	ssyncadd.s32 $0xFFFFF800;
	s19 =	simm.s32 $0x3A00;
	v5 =	vor.u32 v6, v5  }
0xce: {  	v5 =	vor.u32 v1, v5;
	v4 =	vld.idx.msk [tilespmem:v39+s19+$0x0], $0xffff;
	_ =	sdelay $0x2  }
0xcf: {  	s18 =	spop @!p0 (v2sf)  }
0xd0: {  	s18 =	sand.u32 @!p0 $0xFFFFF80, s18  }
0xd1: {  	s18 =	sadd.s32 @!p0 s1, s18;
	s19 =	simm.s32 @!p0 $0x3A00;
	[tilespmem:v5+s28+$0x0] =	vst.idx.msk $0xffff, v4  }
0xd2: {  	[tilespmem:s19], [sflag:$0x8] =	stream.strided.gather @!p0 [hbm4b:s18+s16], $0x800, s17, s16, $0x38;
	[tilespmem:$0xA200] =	vst v63  }
0xd3: {  	_ =	swait.ge [sflag:s5], $0x800  }
0xd4: {  	(v2sf) =	vpush v2, $0x8;
	_ =	sdelay $0x9  }
0xd5: {  	(v2sf) =	vpush @!p0 v3, $0x8;
	_ =	sdelay $0x4  }
0xd6: {  	s19 =	spop (v2sf)  }
0xd7: {  	s18 =	sand.u32 $0x7F, s19  }
0xd8: {  	s19 =	sadd.s32 $0xFFFFFFF9, s15;
	v42 =	vor.u32 s18, v0  }
0xd9: {  	v43 =	vmov s19  }
0xda: {  	v44 =	vshll.u32 v43, $0x3  }
0xdb: {  	[sflag:s5] =	ssyncset.done $0x0;
	v5 =	vand.u32 $0x78, v43;
	v6 =	vand.u32 $0xC00, v44  }
0xdc: {  	[sflag:s5] =	ssyncadd.s32 $0xFFFFF800;
	v5 =	vor.u32 v6, v5  }
0xdd: {  	v5 =	vor.u32 v1, v5;
	v4 =	vld.idx.msk [tilespmem:v42+s22+$0x0], $0xffff;
	_ =	sdelay $0x2  }
0xde: {  	s18 =	spop @!p0 (v2sf)  }
0xdf: {  	s18 =	sand.u32 @!p0 $0xFFFFF80, s18  }
0xe0: {  	s19 =	simm.s32 @!p0 $0x4200;
	s18 =	sadd.s32 @!p0 s1, s18;
	[tilespmem:v5+s28+$0x0] =	vst.idx.msk $0xffff, v4  }
0xe1: {  	[tilespmem:s19], [sflag:$0x9] =	stream.strided.gather @!p0 [hbm4b:s18+s16], $0x800, s17, s16, $0x38;
	[tilespmem:$0xA200] =	vst v63  }
0xe2: {  	_ =	swait.ge [sflag:s6], $0x800  }
0xe3: {  	(v2sf) =	vpush v2, $0x9;
	_ =	sdelay $0x9  }
0xe4: {  	(v2sf) =	vpush @!p0 v3, $0x9;
	_ =	sdelay $0x4  }
0xe5: {  	s19 =	spop (v2sf)  }
0xe6: {  	s18 =	sand.u32 $0x7F, s19  }
0xe7: {  	s19 =	sadd.s32 $0xFFFFFFFA, s15;
	v45 =	vor.u32 s18, v0  }
0xe8: {  	v46 =	vmov s19  }
0xe9: {  	v47 =	vshll.u32 v46, $0x3  }
0xea: {  	[sflag:s6] =	ssyncset.done $0x0;
	v5 =	vand.u32 $0x79, v46;
	v6 =	vand.u32 $0xC00, v47  }
0xeb: {  	[sflag:s6] =	ssyncadd.s32 $0xFFFFF800;
	s19 =	simm.s32 $0x4A00;
	v5 =	vor.u32 v6, v5  }
0xec: {  	v5 =	vor.u32 v1, v5;
	v4 =	vld.idx.msk [tilespmem:v45+s19+$0x0], $0xffff;
	_ =	sdelay $0x2  }
0xed: {  	s18 =	spop @!p0 (v2sf)  }
0xee: {  	s18 =	sand.u32 @!p0 $0xFFFFF80, s18  }
0xef: {  	s18 =	sadd.s32 @!p0 s1, s18;
	s19 =	simm.s32 @!p0 $0x4A00;
	[tilespmem:v5+s28+$0x0] =	vst.idx.msk $0xffff, v4  }
0xf0: {  	[tilespmem:s19], [sflag:$0xA] =	stream.strided.gather @!p0 [hbm4b:s18+s16], $0x800, s17, s16, $0x38;
	[tilespmem:$0xA200] =	vst v63  }
0xf1: {  	_ =	swait.ge [sflag:s7], $0x800  }
0xf2: {  	(v2sf) =	vpush v2, $0xA;
	_ =	sdelay $0x9  }
0xf3: {  	(v2sf) =	vpush @!p0 v3, $0xA;
	_ =	sdelay $0x4  }
0xf4: {  	s19 =	spop (v2sf)  }
0xf5: {  	s18 =	sand.u32 $0x7F, s19  }
0xf6: {  	s19 =	sadd.s32 $0xFFFFFFFB, s15;
	v48 =	vor.u32 s18, v0  }
0xf7: {  	v49 =	vmov s19  }
0xf8: {  	v50 =	vshll.u32 v49, $0x3  }
0xf9: {  	[sflag:s7] =	ssyncset.done $0x0;
	v5 =	vand.u32 $0x7A, v49;
	v6 =	vand.u32 $0xC00, v50  }
0xfa: {  	[sflag:s7] =	ssyncadd.s32 $0xFFFFF800;
	s19 =	simm.s32 $0x5200;
	v5 =	vor.u32 v6, v5  }
0xfb: {  	v5 =	vor.u32 v1, v5;
	v4 =	vld.idx.msk [tilespmem:v48+s19+$0x0], $0xffff;
	_ =	sdelay $0x2  }
0xfc: {  	s18 =	spop @!p0 (v2sf)  }
0xfd: {  	s18 =	sand.u32 @!p0 $0xFFFFF80, s18  }
0xfe: {  	s18 =	sadd.s32 @!p0 s1, s18;
	s19 =	simm.s32 @!p0 $0x5200;
	[tilespmem:v5+s28+$0x0] =	vst.idx.msk $0xffff, v4  }
0xff: {  	[tilespmem:s19], [sflag:$0xB] =	stream.strided.gather @!p0 [hbm4b:s18+s16], $0x800, s17, s16, $0x38;
	[tilespmem:$0xA200] =	vst v63  }
0x100: {  	_ =	swait.ge [sflag:s8], $0x800  }
0x101: {  	(v2sf) =	vpush v2, $0xB;
	_ =	sdelay $0x9  }
0x102: {  	(v2sf) =	vpush @!p0 v3, $0xB;
	_ =	sdelay $0x4  }
0x103: {  	s19 =	spop (v2sf)  }
0x104: {  	s18 =	sand.u32 $0x7F, s19  }
0x105: {  	s19 =	sadd.s32 $0xFFFFFFFC, s15;
	v51 =	vor.u32 s18, v0  }
0x106: {  	v52 =	vmov s19  }
0x107: {  	v53 =	vshll.u32 v52, $0x3  }
0x108: {  	[sflag:s8] =	ssyncset.done $0x0;
	v5 =	vand.u32 $0x7B, v52;
	v6 =	vand.u32 $0xC00, v53  }
0x109: {  	[sflag:s8] =	ssyncadd.s32 $0xFFFFF800;
	s19 =	simm.s32 $0x5A00;
	v5 =	vor.u32 v6, v5  }
0x10a: {  	v5 =	vor.u32 v1, v5;
	v4 =	vld.idx.msk [tilespmem:v51+s19+$0x0], $0xffff;
	_ =	sdelay $0x2  }
0x10b: {  	s18 =	spop @!p0 (v2sf)  }
0x10c: {  	s18 =	sand.u32 @!p0 $0xFFFFF80, s18  }
0x10d: {  	s18 =	sadd.s32 @!p0 s1, s18;
	s19 =	simm.s32 @!p0 $0x5A00;
	[tilespmem:v5+s28+$0x0] =	vst.idx.msk $0xffff, v4  }
0x10e: {  	[tilespmem:s19], [sflag:$0xC] =	stream.strided.gather @!p0 [hbm4b:s18+s16], $0x800, s17, s16, $0x38;
	[tilespmem:$0xA200] =	vst v63  }
0x10f: {  	_ =	swait.ge [sflag:s9], $0x800  }
0x110: {  	(v2sf) =	vpush v2, $0xC;
	_ =	sdelay $0x9  }
0x111: {  	(v2sf) =	vpush @!p0 v3, $0xC;
	_ =	sdelay $0x4  }
0x112: {  	s19 =	spop (v2sf)  }
0x113: {  	s18 =	sand.u32 $0x7F, s19  }
0x114: {  	s19 =	sadd.s32 $0xFFFFFFFD, s15;
	v54 =	vor.u32 s18, v0  }
0x115: {  	v55 =	vmov s19  }
0x116: {  	v56 =	vshll.u32 v55, $0x3  }
0x117: {  	[sflag:s9] =	ssyncset.done $0x0;
	v5 =	vand.u32 $0x7C, v55;
	v6 =	vand.u32 $0xC00, v56  }
0x118: {  	[sflag:s9] =	ssyncadd.s32 $0xFFFFF800;
	s19 =	simm.s32 $0x6200;
	v5 =	vor.u32 v6, v5  }
0x119: {  	v5 =	vor.u32 v1, v5;
	v4 =	vld.idx.msk [tilespmem:v54+s19+$0x0], $0xffff;
	_ =	sdelay $0x2  }
0x11a: {  	s18 =	spop @!p0 (v2sf)  }
0x11b: {  	s18 =	sand.u32 @!p0 $0xFFFFF80, s18  }
0x11c: {  	s18 =	sadd.s32 @!p0 s1, s18;
	s19 =	simm.s32 @!p0 $0x6200;
	[tilespmem:v5+s28+$0x0] =	vst.idx.msk $0xffff, v4  }
0x11d: {  	[tilespmem:s19], [sflag:$0xD] =	stream.strided.gather @!p0 [hbm4b:s18+s16], $0x800, s17, s16, $0x38;
	[tilespmem:$0xA200] =	vst v63  }
0x11e: {  	_ =	swait.ge [sflag:s10], $0x800  }
0x11f: {  	(v2sf) =	vpush v2, $0xD;
	_ =	sdelay $0x9  }
0x120: {  	(v2sf) =	vpush @!p0 v3, $0xD;
	_ =	sdelay $0x4  }
0x121: {  	s19 =	spop (v2sf)  }
0x122: {  	s18 =	sand.u32 $0x7F, s19  }
0x123: {  	s19 =	sadd.s32 $0xFFFFFFFE, s15;
	v57 =	vor.u32 s18, v0  }
0x124: {  	v58 =	vmov s19  }
0x125: {  	v59 =	vshll.u32 v58, $0x3  }
0x126: {  	[sflag:s10] =	ssyncset.done $0x0;
	v5 =	vand.u32 $0x7D, v58;
	v6 =	vand.u32 $0xC00, v59  }
0x127: {  	[sflag:s10] =	ssyncadd.s32 $0xFFFFF800;
	v5 =	vor.u32 v6, v5  }
0x128: {  	v5 =	vor.u32 v1, v5;
	v4 =	vld.idx.msk [tilespmem:v57+s20+$0x0], $0xffff;
	_ =	sdelay $0x2  }
0x129: {  	s18 =	spop @!p0 (v2sf)  }
0x12a: {  	s18 =	sand.u32 @!p0 $0xFFFFF80, s18  }
0x12b: {  	s19 =	simm.s32 @!p0 $0x6A00;
	s18 =	sadd.s32 @!p0 s1, s18;
	[tilespmem:v5+s28+$0x0] =	vst.idx.msk $0xffff, v4  }
0x12c: {  	[tilespmem:s19], [sflag:$0xE] =	stream.strided.gather @!p0 [hbm4b:s18+s16], $0x800, s17, s16, $0x38;
	[tilespmem:$0xA200] =	vst v63  }
0x12d: {  	_ =	swait.ge [sflag:s11], $0x800  }
0x12e: {  	(v2sf) =	vpush v2, $0xE;
	_ =	sdelay $0x9  }
0x12f: {  	(v2sf) =	vpush @!p0 v3, $0xE;
	_ =	sdelay $0x4  }
0x130: {  	s19 =	spop (v2sf)  }
0x131: {  	s18 =	sand.u32 $0x7F, s19  }
0x132: {  	s19 =	sadd.s32 $0xFFFFFFFF, s15;
	v60 =	vor.u32 s18, v0  }
0x133: {  	v61 =	vmov s19  }
0x134: {  	v62 =	vshll.u32 v61, $0x3  }
0x135: {  	[sflag:s11] =	ssyncset.done $0x0;
	v5 =	vand.u32 $0x7E, v61;
	v6 =	vand.u32 $0xC00, v62  }
0x136: {  	[sflag:s11] =	ssyncadd.s32 $0xFFFFF800;
	v5 =	vor.u32 v6, v5  }
0x137: {  	v5 =	vor.u32 v1, v5;
	v4 =	vld.idx.msk [tilespmem:v60+s24+$0x0], $0xffff;
	_ =	sdelay $0x2  }
0x138: {  	s18 =	spop @!p0 (v2sf)  }
0x139: {  	s18 =	sand.u32 @!p0 $0xFFFFF80, s18  }
0x13a: {  	s19 =	simm.s32 @!p0 $0x7200;
	s18 =	sadd.s32 @!p0 s1, s18;
	[tilespmem:v5+s28+$0x0] =	vst.idx.msk $0xffff, v4  }
0x13b: {  	[tilespmem:s19], [sflag:$0xF] =	stream.strided.gather @!p0 [hbm4b:s18+s16], $0x800, s17, s16, $0x38;
	[tilespmem:$0xA200] =	vst v63  }
0x13c: {  	_ =	swait.ge [sflag:s12], $0x800  }
0x13d: {  	(v2sf) =	vpush v2, $0xF;
	_ =	sdelay $0x9  }
0x13e: {  	(v2sf) =	vpush @!p0 v3, $0xF;
	_ =	sdelay $0x4  }
0x13f: {  	s19 =	spop (v2sf)  }
0x140: {  	s18 =	sand.u32 $0x7F, s19  }
0x141: {  	v2 =	vor.u32 s18, v0  }
0x142: {  	v3 =	vmov s15  }
0x143: {  	v63 =	vshll.u32 v3, $0x3  }
0x144: {  	[sflag:s12] =	ssyncset.done $0x0;
	v3 =	vand.u32 $0x7F, v3;
	v4 =	vand.u32 $0xC00, v63  }
0x145: {  	[sflag:s12] =	ssyncadd.s32 $0xFFFFF800;
	v3 =	vor.u32 v4, v3  }
0x146: {  	s15 =	sadd.s32 @!p0 $0x10, s15;
	v3 =	vor.u32 v1, v3;
	v2 =	vld.idx.msk [tilespmem:v2+s21+$0x0], $0xffff  }
0x147: {  	p1 =	sne.s32 @!p0 s15, $0x20F  }
0x148: {  	p1 =	por p0, !p1  }
.Ltmp0:
0x149: {  	s18 =	spop @!p0 (v2sf);
	(pc) =	sbr.rel @!p1 .LBB2_2-.Ltmp0, $4  }
0x14a: {  	s18 =	sand.u32 @!p0 $0xFFFFF80, s18  }
0x14b: {  	s19 =	simm.s32 @!p0 $0x7A00;
	s18 =	sadd.s32 @!p0 s1, s18;
	[tilespmem:v3+s28+$0x0] =	vst.idx.msk $0xffff, v2  }
0x14c: {  	[tilespmem:s19], [sflag:$0x10] =	stream.strided.gather @!p0 [hbm4b:s18+s16], $0x800, s17, s16, $0x38;
	[tilespmem:$0xA200] =	vst v63  }
0x14d: {  	s14 =	sadd.s32 @!p0 $0x1, s14;
	s13 =	sadd.s32 @!p0 $0x10, s13;
	s18 =	simm.s32 $0x200  }
0x14e: {  	s13 =	rddreg [dreg:$0x5];
	s14 =	simm.s32 $0x1000;
	s15 =	simm.s32 $0x20000  }
0x14f: {  	[hbm4b:s13+s14] =	stream.strided.scatter [tilespmem:s28], [sflag:$0x11], $0x2000, s15, s14, $0x38;
	[tilespmem:$0xA200] =	vst v63  }
0x150: {  	s15 =	simm.s32 $0x11  }
0x151: {  	_ =	swait.ge [sflag:s15], $0x2000  }
0x152: {  	s24 =	rddreg [dreg:$0x7]  }
0x153: {  	s25 =	rddreg [dreg:$0x6];
	s14 =	sadd.s32 $0x1, s24  }
0x154: {  	p0 =	sne.s32 s14, s25  }
.Ltmp1:
0x155: {  	_ = 	snop;
	(pc) =	sbr.rel @p0 .LBB2_1-.Ltmp1, $4  }
0x156: {  	s17 =	simm.s32 $0xA00  }
0x157: {  	s19 =	simm.s32 $0x1200;
	s20 =	simm.s32 $0x1A00;
	s21 =	simm.s32 $0x2200  }
0x158: {  	s22 =	simm.s32 $0x2A00;
	s23 =	simm.s32 $0x3200;
	[sflag:s15] =	ssyncset.done $0x0  }
0x159: {  	[sflag:s15] =	ssyncadd.s32 $0xFFFFE000;
	s24 =	simm.s32 $0x3A00;
	s25 =	simm.s32 $0x4200  }
0x15a: {  	_ =	sfence.sel $0x180000  }
0x15b: {  	[bflag:$0x0] =	sbarrier.arrive $0xFFFF  }
0x15c: {  	_ =	strace $0x90000047  }
0x15d: {  	s0 =	stileid.u32;
	[bflag:$0x2] =	sbarrier.arrive $0xFFFF  }
0x15e: {  	p0 =	sne.s32 s0, $0x0;
	s0 =	rddreg [dreg:$0x3]  }
0x15f: {  	s0 =	sadd.s32 @!p0 $0x100000, s0  }
0x160: {  	[sflag:s0] =	ssyncadd.tile.s32 @!p0 $0x1;
	_ =	shalt  }
.Lfunc_end2:
_tile_overlayer_lowered:
.L_overlay_start_2:
0x161: {  	(tag) =	ssettag $0x2  }
0x162: {  	s0 =	rddreg [dreg:$0x0];
	s2 =	stileid.u32  }
0x163: {  	s1 =	rddreg [dreg:$0x1];
	p0 =	sne.s32 s2, $0x0  }
0x164: {  	s3 =	rddreg [dreg:$0x2];
	[bflag:$0x3] =	sbarrier.arrive $0xFFFF;
	s2 =	simm.s32 @!p0 $0x1C11  }
0x165: {  	[timem:s3], [sflag:s2] =	dma.local @!p0 [hbm:s0], s1  }
0x166: {  	s0 =	simm.s32 @!p0 $0x11  }
0x167: {  	_ =	swait.ge @!p0 [sflag:s0], s1  }
0x168: {  	s1 =	ssub.s32 @!p0 $0x0, s1;
	[sflag:s0] =	ssyncset.done @!p0 $0x0  }
0x169: {  	[sflag:s0] =	ssyncadd.s32 @!p0 s1  }
0x16a: {  	[bflag:$0x3] =	sbarrier.arrive $0xFFFF  }
0x16b: {  	_ =	shalt  }

</sc_bundles>
